<compile_context>
chip_gen: v7x
topology: tpu7x:2x2x1
jax: 0.10.2.dev20260603
libtpu: 0.0.44.dev20260713+nightly
codegen_flags: <defaults>
</compile_context>

<pallas_src>
import functools

import jax
import jax.numpy as jnp
from jax import lax
from jax.experimental import pallas as pl
from jax.experimental.pallas import tpu as pltpu
from jax.experimental.pallas import tpu_sc as plsc

N_CORES = 2
N_SUBCORES = 16
CH = 32
SB = 8


def _sc_segment_sum(x, src32, dst32, n, nsc, nchunks):
    d = x.shape[1]
    nwaste = 32
    xr = 624
    xr_last = n - 15 * xr
    zb = 320
    z_last = (nsc + nwaste) - zb
    wr8 = 320
    wr_last = nsc - 15 * wr8
    mesh = plsc.VectorSubcoreMesh(core_axis_name="c", subcore_axis_name="s")

    @functools.partial(
        pl.kernel,
        out_type=jax.ShapeDtypeStruct((N_CORES, nsc, d), jnp.float32),
        mesh=mesh,
        scratch_types=[
            pltpu.VMEM_SHARED((n, d), jnp.float32),
            pltpu.VMEM_SHARED((nsc + 32, d), jnp.float32),
            pltpu.VMEM((SB, CH), jnp.int32),
            pltpu.VMEM((SB, CH), jnp.int32),
            pltpu.VMEM((CH, d), jnp.float32),
            pltpu.VMEM((CH, d), jnp.float32),
            pltpu.SemaphoreType.DMA,
            pltpu.SemaphoreType.DMA,
            pltpu.SemaphoreType.DMA,
            pltpu.SemaphoreType.DMA,
            pltpu.SemaphoreType.DMA,
        ],
    )
    def k(x_hbm, src_hbm, dst_hbm, out_hbm, x_sh, h_sh, src_v, dst_v,
          rows_a, rows_b, sem_a, sem_b, sem_i, sem_sa, sem_sb):
        c = lax.axis_index("c")
        s = lax.axis_index("s")

        @pl.when(s < 15)
        def _():
            pltpu.sync_copy(x_hbm.at[pl.ds(s * xr, xr)],
                            x_sh.at[pl.ds(s * xr, xr)])

        @pl.when(s == 15)
        def _():
            pltpu.sync_copy(x_hbm.at[pl.ds(15 * xr, xr_last)],
                            x_sh.at[pl.ds(15 * xr, xr_last)])

        z = jnp.zeros((16,), jnp.float32)

        def zrow(i, _):
            for kk in range(d // 16):
                rows_a[i, pl.ds(kk * 16, 16)] = z
            return 0

        lax.fori_loop(0, CH, zrow, 0)

        @pl.when(s < 15)
        def _():
            for kk in range(zb // CH):
                pltpu.sync_copy(rows_a, h_sh.at[pl.ds(s * zb + kk * CH, CH)])

        @pl.when(s == 15)
        def _():
            for kk in range(zb // CH):
                pltpu.sync_copy(rows_a, h_sh.at[pl.ds(z_last + kk * CH, CH)])

        plsc.subcore_barrier()

        base_lo = c * nsc
        nblocks = nchunks // SB
        tb = s * nchunks

        pltpu.async_copy(src_hbm.at[pl.ds(tb, SB)], src_v, sem_i)
        pltpu.async_copy(dst_hbm.at[pl.ds(tb, SB)], dst_v, sem_i)

        def block(sb, _):
            pltpu.make_async_copy(src_hbm.at[pl.ds(tb, SB)], src_v,
                                  sem_i).wait()
            pltpu.make_async_copy(dst_hbm.at[pl.ds(tb, SB)], dst_v,
                                  sem_i).wait()

            nbase = tb + (sb + 1) * SB
            pltpu.async_copy(x_sh.at[src_v.at[0]], rows_a, sem_a)

            for j in range(SB):
                for k2 in range(CH // 16):
                    v = dst_v[j, pl.ds(k2 * 16, 16)]
                    loc = v - base_lo
                    inm = (loc >= 0) & (loc < nsc)
                    dst_v[j, pl.ds(k2 * 16, 16)] = jnp.where(
                        inm, loc, nsc + (v & (nwaste - 1)))
            for j in range(SB):
                if j % 2 == 0:
                    buf, gsem, ssem = rows_a, sem_a, sem_sa
                    obuf, ogsem, ossem = rows_b, sem_b, sem_sb
                else:
                    buf, gsem, ssem = rows_b, sem_b, sem_sb
                    obuf, ogsem, ossem = rows_a, sem_a, sem_sa
                pltpu.make_async_copy(x_sh.at[src_v.at[j]], buf, gsem).wait()
                if j == SB - 1:
                    @pl.when(sb + 1 < nblocks)
                    def _():
                        pltpu.async_copy(src_hbm.at[pl.ds(nbase, SB)],
                                         src_v, sem_i)
                pltpu.async_copy(buf, h_sh.at[dst_v.at[j]], ssem, add=True)
                if j >= 1:
                    pltpu.make_async_copy(obuf, h_sh.at[dst_v.at[j - 1]],
                                          ossem).wait()
                if j + 1 < SB:
                    pltpu.async_copy(x_sh.at[src_v.at[j + 1]], obuf, ogsem)

            pltpu.make_async_copy(rows_b, h_sh.at[dst_v.at[SB - 1]],
                                  sem_sb).wait()

            @pl.when(sb + 1 < nblocks)
            def _():
                pltpu.async_copy(dst_hbm.at[pl.ds(nbase, SB)], dst_v, sem_i)
            return 0

        lax.fori_loop(0, nblocks, block, 0)

        plsc.subcore_barrier()

        @pl.when(s < 15)
        def _():
            pltpu.sync_copy(h_sh.at[pl.ds(s * wr8, wr8)],
                            out_hbm.at[c, pl.ds(s * wr8, wr8)])

        @pl.when(s == 15)
        def _():
            pltpu.sync_copy(h_sh.at[pl.ds(15 * wr8, wr_last)],
                            out_hbm.at[c, pl.ds(15 * wr8, wr_last)])

    return k(x, src32, dst32)


def _tc_self(x, ws_t, b2d):
    n, d = x.shape
    blk = 512
    grid = (pl.cdiv(n, blk),)

    def body(x_ref, ws_ref, b_ref, o_ref):
        o_ref[...] = jnp.dot(
            x_ref[...], ws_ref[...],
            preferred_element_type=jnp.float32) + b_ref[...]

    row_spec = pl.BlockSpec((blk, d), lambda i: (i, 0))
    full_spec = pl.BlockSpec((d, d), lambda i: (0, 0))
    bias_spec = pl.BlockSpec((1, d), lambda i: (0, 0))
    return pl.pallas_call(
        body,
        grid=grid,
        in_specs=[row_spec, full_spec, bias_spec],
        out_specs=row_spec,
        out_shape=jax.ShapeDtypeStruct((n, d), jnp.float32),
    )(x, ws_t, b2d)


def _tc_combine(h, xw, wl_t):
    n, d = xw.shape
    blk = 512
    grid = (pl.cdiv(n, blk),)

    def body(h_ref, xw_ref, wl_ref, o_ref):
        o_ref[...] = jnp.dot(
            h_ref[...], wl_ref[...],
            preferred_element_type=jnp.float32) + xw_ref[...]

    row_spec = pl.BlockSpec((blk, d), lambda i: (i, 0))
    full_spec = pl.BlockSpec((d, d), lambda i: (0, 0))
    return pl.pallas_call(
        body,
        grid=grid,
        in_specs=[row_spec, row_spec, full_spec],
        out_specs=row_spec,
        out_shape=jax.ShapeDtypeStruct((n, d), jnp.float32),
    )(h, xw, wl_t)


def kernel(x, edge_index, W_lin, b_lin, W_self, b_self, bias):
    n, d = x.shape
    e = edge_index.shape[1]
    src = edge_index[0].astype(jnp.int32)
    dst = edge_index[1].astype(jnp.int32)

    ept = pl.cdiv(e, N_SUBCORES)
    nchunks = ((pl.cdiv(ept, CH) + SB - 1) // SB) * SB
    e_pad = N_SUBCORES * nchunks * CH
    nsc = -(-((n + 2) // 2) // 8) * 8

    pad = e_pad - e
    src_p = jnp.concatenate(
        [src, (jnp.arange(pad, dtype=jnp.int32) * 97) % n])
    dst_p = jnp.concatenate([dst, jnp.full((pad,), n, jnp.int32)])
    src32 = src_p.reshape(N_SUBCORES * nchunks, CH)
    dst32 = dst_p.reshape(N_SUBCORES * nchunks, CH)

    parts = _sc_segment_sum(x, src32, dst32, n, nsc, nchunks)
    h = parts.reshape(2 * nsc, d)
    b2d = (b_lin + b_self + bias).reshape(1, d)
    xw = _tc_self(x, W_self.T, b2d)
    return _tc_combine(h, xw, W_lin.T)

# --- scband reference (transcript-rebuilt; emitter-appended) ---
"""Pipeline reference for scband-graph-conv-layer-17162689314845 (READ-ONLY COPY).

The authoritative reference and input builder live on the scoring server;
editing this copy changes nothing except your own understanding.
"""

import jax, jax.numpy as jnp
import numpy as np

N_NODES = 10000
N_EDGES = 320000
D_IN = 128
D_OUT = 128


def setup_inputs(seed: int = 0) -> dict:
    key = jax.random.key(seed)
    k_x, k_ei, k_wl, k_bl, k_ws, k_bs = jax.random.split(key, 6)
    x = jax.random.normal(k_x, (N_NODES, D_IN), dtype=jnp.float32)
    edge_index = jax.random.randint(k_ei, (2, N_EDGES), 0, N_NODES, dtype=jnp.int64)
    # Parameters sized like torch.nn.Linear(in_features, out_features): weight [out, in]
    W_lin = jax.random.normal(k_wl, (D_OUT, D_IN), dtype=jnp.float32) * (1.0 / np.sqrt(D_IN))
    b_lin = jax.random.normal(k_bl, (D_OUT,), dtype=jnp.float32) * 0.01
    W_self = jax.random.normal(k_ws, (D_OUT, D_IN), dtype=jnp.float32) * (1.0 / np.sqrt(D_IN))
    b_self = jax.random.normal(k_bs, (D_OUT,), dtype=jnp.float32) * 0.01
    bias = jnp.zeros((D_OUT,), dtype=jnp.float32)
    return {"x": x, "edge_index": edge_index, "W_lin": W_lin, "b_lin": b_lin,
            "W_self": W_self, "b_self": b_self, "bias": bias}


def reference(x, edge_index, W_lin, b_lin, W_self, b_self, bias):
    # DGL update_all(copy_src -> sum over mailbox):
    # each edge copies src node feature; each dst node sums incoming messages.
    src = edge_index[0]
    dst = edge_index[1]
    msgs = jnp.take(x, src, axis=0)                      # gather [E, D_IN]
    h = jax.ops.segment_sum(msgs, dst, num_segments=x.shape[0])  # scatter-add [N, D_IN]
    h = h @ W_lin.T + b_lin                              # self.linear(h)
    out = h + (x @ W_self.T + b_self) + bias             # + self_loop_w(x) + bias
    return out

if __name__ == "__main__":
    import jax
    _d = setup_inputs()
    print(jax.jit(kernel)(*tuple(_d.values())))

</pallas_src>

<mosaic_0001>
#map = affine_map<(d0, d1) -> (0, 0)>
#map1 = affine_map<(d0, d1) -> (0, 0, 0)>
module attributes {stable_mosaic.version = 14 : i64} {
  func.func @k(%arg0: i32, %arg1: i32, %arg2: memref<10000x128xf32, #tpu.memory_space<hbm>>, %arg3: memref<10112x32xi32, #tpu.memory_space<hbm>>, %arg4: memref<10112x32xi32, #tpu.memory_space<hbm>>, %arg5: memref<2x5008x128xf32, #tpu.memory_space<hbm>>, %arg6: memref<10000x128xf32, #tpu.memory_space<vmem_shared>>, %arg7: memref<5040x128xf32, #tpu.memory_space<vmem_shared>>, %arg8: memref<8x32xi32, #tpu.memory_space<vmem>>, %arg9: memref<8x32xi32, #tpu.memory_space<vmem>>, %arg10: memref<32x128xf32, #tpu.memory_space<vmem>>, %arg11: memref<32x128xf32, #tpu.memory_space<vmem>>, %arg12: memref<!tpu.dma_semaphore, #tpu.memory_space<semaphore_mem>>, %arg13: memref<!tpu.dma_semaphore, #tpu.memory_space<semaphore_mem>>, %arg14: memref<!tpu.dma_semaphore, #tpu.memory_space<semaphore_mem>>, %arg15: memref<!tpu.dma_semaphore, #tpu.memory_space<semaphore_mem>>, %arg16: memref<!tpu.dma_semaphore, #tpu.memory_space<semaphore_mem>>) attributes {dimension_semantics = [#tpu.dimension_semantics<core_parallel>, #tpu.dimension_semantics<subcore_parallel>], iteration_bounds = array<i64: 2, 16>, scalar_prefetch = 0 : i64, scratch_operands = 11 : i64, tpu.core_type = #tpu.core_type<sc_vector_subcore>, window_params = [{transform_indices = #map}, {transform_indices = #map}, {transform_indices = #map}, {transform_indices = #map1}]} {
    %lt3A = arith.constant 15 : i32
    %lt3A_0 = arith.cmpi slt, %arg1, %lt3A : i32
    %convert_element_type3A = arith.extui %lt3A_0 : i1 to i32
    %cond3A = arith.constant 0 : i32
    %cond3A_1 = arith.cmpi ne, %convert_element_type3A, %cond3A : i32
    scf.if %cond3A_1 {
      %mul3A_51 = arith.constant 624 : i32
      %mul3A_52 = arith.muli %arg1, %mul3A_51 : i32
      %mul3A_53 = arith.constant 624 : i32
      %mul3A_54 = arith.muli %arg1, %mul3A_53 : i32
      "tpu.region"() ({
        %run_scoped3A = tpu.sem_alloc : memref<!tpu.dma_semaphore, #tpu.memory_space<semaphore_mem>>
        %dma_start3A_55 = arith.constant 0 : i32
        %dma_start3A_56 = tpu.memref_slice %arg6[%mul3A_54, %dma_start3A_55] : memref<10000x128xf32, #tpu.memory_space<vmem_shared>> -> memref<624x128xf32, #tpu.memory_space<vmem_shared>>
        %dma_start3A_57 = arith.constant 0 : i32
        %dma_start3A_58 = tpu.memref_slice %arg2[%mul3A_52, %dma_start3A_57] : memref<10000x128xf32, #tpu.memory_space<hbm>> -> memref<624x128xf32, #tpu.memory_space<hbm>>
        tpu.enqueue_dma source(%dma_start3A_58 : memref<624x128xf32, #tpu.memory_space<hbm>>) target(%dma_start3A_56 : memref<624x128xf32, #tpu.memory_space<vmem_shared>>) target_semaphore(%run_scoped3A : memref<!tpu.dma_semaphore, #tpu.memory_space<semaphore_mem>>)
        %dma_wait3A = arith.constant 0 : i32
        %dma_wait3A_59 = tpu.memref_slice %arg6[%mul3A_54, %dma_wait3A] : memref<10000x128xf32, #tpu.memory_space<vmem_shared>> -> memref<624x128xf32, #tpu.memory_space<vmem_shared>>
        %dma_wait3A_60 = arith.constant 0 : i32
        %dma_wait3A_61 = tpu.memref_slice %arg2[%mul3A_52, %dma_wait3A_60] : memref<10000x128xf32, #tpu.memory_space<hbm>> -> memref<624x128xf32, #tpu.memory_space<hbm>>
        tpu.wait_dma2 semaphore(%run_scoped3A : memref<!tpu.dma_semaphore, #tpu.memory_space<semaphore_mem>>) src(%dma_wait3A_61 : memref<624x128xf32, #tpu.memory_space<hbm>>) dst(%dma_wait3A_59 : memref<624x128xf32, #tpu.memory_space<vmem_shared>>)
        tpu.yield
      }) : () -> ()
    } else {
    }
    %eq3A = arith.constant 15 : i32
    %eq3A_2 = arith.cmpi eq, %arg1, %eq3A : i32
    %convert_element_type3A_3 = arith.extui %eq3A_2 : i1 to i32
    %cond3A_4 = arith.constant 0 : i32
    %cond3A_5 = arith.cmpi ne, %convert_element_type3A_3, %cond3A_4 : i32
    scf.if %cond3A_5 {
      "tpu.region"() ({
        %run_scoped3A = tpu.sem_alloc : memref<!tpu.dma_semaphore, #tpu.memory_space<semaphore_mem>>
        %dma_start3A_51 = arith.constant 9360 : i32
        %dma_start3A_52 = arith.constant 0 : i32
        %dma_start3A_53 = tpu.memref_slice %arg6[%dma_start3A_51, %dma_start3A_52] : memref<10000x128xf32, #tpu.memory_space<vmem_shared>> -> memref<640x128xf32, #tpu.memory_space<vmem_shared>>
        %dma_start3A_54 = arith.constant 9360 : i32
        %dma_start3A_55 = arith.constant 0 : i32
        %dma_start3A_56 = tpu.memref_slice %arg2[%dma_start3A_54, %dma_start3A_55] : memref<10000x128xf32, #tpu.memory_space<hbm>> -> memref<640x128xf32, #tpu.memory_space<hbm>>
        tpu.enqueue_dma source(%dma_start3A_56 : memref<640x128xf32, #tpu.memory_space<hbm>>) target(%dma_start3A_53 : memref<640x128xf32, #tpu.memory_space<vmem_shared>>) target_semaphore(%run_scoped3A : memref<!tpu.dma_semaphore, #tpu.memory_space<semaphore_mem>>)
        %dma_wait3A = arith.constant 9360 : i32
        %dma_wait3A_57 = arith.constant 0 : i32
        %dma_wait3A_58 = tpu.memref_slice %arg6[%dma_wait3A, %dma_wait3A_57] : memref<10000x128xf32, #tpu.memory_space<vmem_shared>> -> memref<640x128xf32, #tpu.memory_space<vmem_shared>>
        %dma_wait3A_59 = arith.constant 9360 : i32
        %dma_wait3A_60 = arith.constant 0 : i32
        %dma_wait3A_61 = tpu.memref_slice %arg2[%dma_wait3A_59, %dma_wait3A_60] : memref<10000x128xf32, #tpu.memory_space<hbm>> -> memref<640x128xf32, #tpu.memory_space<hbm>>
        tpu.wait_dma2 semaphore(%run_scoped3A : memref<!tpu.dma_semaphore, #tpu.memory_space<semaphore_mem>>) src(%dma_wait3A_61 : memref<640x128xf32, #tpu.memory_space<hbm>>) dst(%dma_wait3A_58 : memref<640x128xf32, #tpu.memory_space<vmem_shared>>)
        tpu.yield
      }) : () -> ()
    } else {
    }
    %broadcast_in_dim3A = arith.constant 0.000000e+00 : f32
    %broadcast_in_dim3A_6 = vector.broadcast %broadcast_in_dim3A : f32 to vector<16xf32>
    %scan3A = arith.constant 0 : i32
    %scan3A_7 = arith.constant 0 : i32
    %scan3A_8 = arith.constant 32 : i32
    %scan3A_9 = arith.addi %scan3A_7, %scan3A_8 : i32
    %scan3A_10 = arith.constant 1 : i32
    %scan3A_11 = scf.for %scan3A_51 = %scan3A_7 to %scan3A_9 step %scan3A_10 iter_args(%scan3A_52 = %scan3A) -> (i32)  : i32 {
      %swap3A = arith.index_cast %scan3A_51 : i32 to index
      %swap3A_53 = arith.constant 0 : index
      %swap3A_54 = tpu.vector_load %arg10[%swap3A, %swap3A_53] {strides = array<i32>} : memref<32x128xf32, #tpu.memory_space<vmem>>, vector<1x16xf32>,
      %swap3A_55 = vector.shape_cast %swap3A_54 : vector<1x16xf32> to vector<16xf32>
      %swap3A_56 = vector.shape_cast %broadcast_in_dim3A_6 : vector<16xf32> to vector<1x16xf32>
      tpu.vector_store %arg10[%swap3A, %swap3A_53], %swap3A_56 {strides = array<i32>} : memref<32x128xf32, #tpu.memory_space<vmem>>, vector<1x16xf32>,
      %swap3A_57 = arith.index_cast %scan3A_51 : i32 to index
      %swap3A_58 = arith.constant 16 : index
      %swap3A_59 = tpu.vector_load %arg10[%swap3A_57, %swap3A_58] {strides = array<i32>} : memref<32x128xf32, #tpu.memory_space<vmem>>, vector<1x16xf32>,
      %swap3A_60 = vector.shape_cast %swap3A_59 : vector<1x16xf32> to vector<16xf32>
      %swap3A_61 = vector.shape_cast %broadcast_in_dim3A_6 : vector<16xf32> to vector<1x16xf32>
      tpu.vector_store %arg10[%swap3A_57, %swap3A_58], %swap3A_61 {strides = array<i32>} : memref<32x128xf32, #tpu.memory_space<vmem>>, vector<1x16xf32>,
      %swap3A_62 = arith.index_cast %scan3A_51 : i32 to index
      %swap3A_63 = arith.constant 32 : index
      %swap3A_64 = tpu.vector_load %arg10[%swap3A_62, %swap3A_63] {strides = array<i32>} : memref<32x128xf32, #tpu.memory_space<vmem>>, vector<1x16xf32>,
      %swap3A_65 = vector.shape_cast %swap3A_64 : vector<1x16xf32> to vector<16xf32>
      %swap3A_66 = vector.shape_cast %broadcast_in_dim3A_6 : vector<16xf32> to vector<1x16xf32>
      tpu.vector_store %arg10[%swap3A_62, %swap3A_63], %swap3A_66 {strides = array<i32>} : memref<32x128xf32, #tpu.memory_space<vmem>>, vector<1x16xf32>,
      %swap3A_67 = arith.index_cast %scan3A_51 : i32 to index
      %swap3A_68 = arith.constant 48 : index
      %swap3A_69 = tpu.vector_load %arg10[%swap3A_67, %swap3A_68] {strides = array<i32>} : memref<32x128xf32, #tpu.memory_space<vmem>>, vector<1x16xf32>,
      %swap3A_70 = vector.shape_cast %swap3A_69 : vector<1x16xf32> to vector<16xf32>
      %swap3A_71 = vector.shape_cast %broadcast_in_dim3A_6 : vector<16xf32> to vector<1x16xf32>
      tpu.vector_store %arg10[%swap3A_67, %swap3A_68], %swap3A_71 {strides = array<i32>} : memref<32x128xf32, #tpu.memory_space<vmem>>, vector<1x16xf32>,
      %swap3A_72 = arith.index_cast %scan3A_51 : i32 to index
      %swap3A_73 = arith.constant 64 : index
      %swap3A_74 = tpu.vector_load %arg10[%swap3A_72, %swap3A_73] {strides = array<i32>} : memref<32x128xf32, #tpu.memory_space<vmem>>, vector<1x16xf32>,
      %swap3A_75 = vector.shape_cast %swap3A_74 : vector<1x16xf32> to vector<16xf32>
      %swap3A_76 = vector.shape_cast %broadcast_in_dim3A_6 : vector<16xf32> to vector<1x16xf32>
      tpu.vector_store %arg10[%swap3A_72, %swap3A_73], %swap3A_76 {strides = array<i32>} : memref<32x128xf32, #tpu.memory_space<vmem>>, vector<1x16xf32>,
      %swap3A_77 = arith.index_cast %scan3A_51 : i32 to index
      %swap3A_78 = arith.constant 80 : index
      %swap3A_79 = tpu.vector_load %arg10[%swap3A_77, %swap3A_78] {strides = array<i32>} : memref<32x128xf32, #tpu.memory_space<vmem>>, vector<1x16xf32>,
      %swap3A_80 = vector.shape_cast %swap3A_79 : vector<1x16xf32> to vector<16xf32>
      %swap3A_81 = vector.shape_cast %broadcast_in_dim3A_6 : vector<16xf32> to vector<1x16xf32>
      tpu.vector_store %arg10[%swap3A_77, %swap3A_78], %swap3A_81 {strides = array<i32>} : memref<32x128xf32, #tpu.memory_space<vmem>>, vector<1x16xf32>,
      %swap3A_82 = arith.index_cast %scan3A_51 : i32 to index
      %swap3A_83 = arith.constant 96 : index
      %swap3A_84 = tpu.vector_load %arg10[%swap3A_82, %swap3A_83] {strides = array<i32>} : memref<32x128xf32, #tpu.memory_space<vmem>>, vector<1x16xf32>,
      %swap3A_85 = vector.shape_cast %swap3A_84 : vector<1x16xf32> to vector<16xf32>
      %swap3A_86 = vector.shape_cast %broadcast_in_dim3A_6 : vector<16xf32> to vector<1x16xf32>
      tpu.vector_store %arg10[%swap3A_82, %swap3A_83], %swap3A_86 {strides = array<i32>} : memref<32x128xf32, #tpu.memory_space<vmem>>, vector<1x16xf32>,
      %swap3A_87 = arith.index_cast %scan3A_51 : i32 to index
      %swap3A_88 = arith.constant 112 : index
      %swap3A_89 = tpu.vector_load %arg10[%swap3A_87, %swap3A_88] {strides = array<i32>} : memref<32x128xf32, #tpu.memory_space<vmem>>, vector<1x16xf32>,
      %swap3A_90 = vector.shape_cast %swap3A_89 : vector<1x16xf32> to vector<16xf32>
      %swap3A_91 = vector.shape_cast %broadcast_in_dim3A_6 : vector<16xf32> to vector<1x16xf32>
      tpu.vector_store %arg10[%swap3A_87, %swap3A_88], %swap3A_91 {strides = array<i32>} : memref<32x128xf32, #tpu.memory_space<vmem>>, vector<1x16xf32>,
      %scan3A_92 = arith.constant 0 : i32
      scf.yield %scan3A_92 : i32
    }
    %scan3A_12 = arith.constant 32 : i32
    %lt3A_13 = arith.constant 15 : i32
    %lt3A_14 = arith.cmpi slt, %arg1, %lt3A_13 : i32
    %convert_element_type3A_15 = arith.extui %lt3A_14 : i1 to i32
    %cond3A_16 = arith.constant 0 : i32
    %cond3A_17 = arith.cmpi ne, %convert_element_type3A_15, %cond3A_16 : i32
    scf.if %cond3A_17 {
      %mul3A_51 = arith.constant 320 : i32
      %mul3A_52 = arith.muli %arg1, %mul3A_51 : i32
      %add3A = arith.constant 0 : i32
      %add3A_53 = arith.addi %mul3A_52, %add3A : i32
      "tpu.region"() ({
        %run_scoped3A = tpu.sem_alloc : memref<!tpu.dma_semaphore, #tpu.memory_space<semaphore_mem>>
        %dma_start3A_90 = arith.constant 0 : i32
        %dma_start3A_91 = tpu.memref_slice %arg7[%add3A_53, %dma_start3A_90] : memref<5040x128xf32, #tpu.memory_space<vmem_shared>> -> memref<32x128xf32, #tpu.memory_space<vmem_shared>>
        %dma_start3A_92 = arith.constant 0 : i32
        %dma_start3A_93 = tpu.memref_slice %arg7[%add3A_53, %dma_start3A_92] : memref<5040x128xf32, #tpu.memory_space<vmem_shared>> -> memref<32x128xf32, #tpu.memory_space<vmem_shared>>
        tpu.enqueue_dma source(%arg10 : memref<32x128xf32, #tpu.memory_space<vmem>>) target(%dma_start3A_93 : memref<32x128xf32, #tpu.memory_space<vmem_shared>>) target_semaphore(%run_scoped3A : memref<!tpu.dma_semaphore, #tpu.memory_space<semaphore_mem>>)
        %dma_wait3A = arith.constant 0 : i32
        %dma_wait3A_94 = tpu.memref_slice %arg7[%add3A_53, %dma_wait3A] : memref<5040x128xf32, #tpu.memory_space<vmem_shared>> -> memref<32x128xf32, #tpu.memory_space<vmem_shared>>
        %dma_wait3A_95 = arith.constant 0 : i32
        %dma_wait3A_96 = tpu.memref_slice %arg7[%add3A_53, %dma_wait3A_95] : memref<5040x128xf32, #tpu.memory_space<vmem_shared>> -> memref<32x128xf32, #tpu.memory_space<vmem_shared>>
        tpu.wait_dma2 semaphore(%run_scoped3A : memref<!tpu.dma_semaphore, #tpu.memory_space<semaphore_mem>>) src(%arg10 : memref<32x128xf32, #tpu.memory_space<vmem>>) dst(%dma_wait3A_96 : memref<32x128xf32, #tpu.memory_space<vmem_shared>>)
        tpu.yield
      }) : () -> ()
      %mul3A_54 = arith.constant 320 : i32
      %mul3A_55 = arith.muli %arg1, %mul3A_54 : i32
      %add3A_56 = arith.constant 32 : i32
      %add3A_57 = arith.addi %mul3A_55, %add3A_56 : i32
      "tpu.region"() ({
        %run_scoped3A = tpu.sem_alloc : memref<!tpu.dma_semaphore, #tpu.memory_space<semaphore_mem>>
        %dma_start3A_90 = arith.constant 0 : i32
        %dma_start3A_91 = tpu.memref_slice %arg7[%add3A_57, %dma_start3A_90] : memref<5040x128xf32, #tpu.memory_space<vmem_shared>> -> memref<32x128xf32, #tpu.memory_space<vmem_shared>>
        %dma_start3A_92 = arith.constant 0 : i32
        %dma_start3A_93 = tpu.memref_slice %arg7[%add3A_57, %dma_start3A_92] : memref<5040x128xf32, #tpu.memory_space<vmem_shared>> -> memref<32x128xf32, #tpu.memory_space<vmem_shared>>
        tpu.enqueue_dma source(%arg10 : memref<32x128xf32, #tpu.memory_space<vmem>>) target(%dma_start3A_93 : memref<32x128xf32, #tpu.memory_space<vmem_shared>>) target_semaphore(%run_scoped3A : memref<!tpu.dma_semaphore, #tpu.memory_space<semaphore_mem>>)
        %dma_wait3A = arith.constant 0 : i32
        %dma_wait3A_94 = tpu.memref_slice %arg7[%add3A_57, %dma_wait3A] : memref<5040x128xf32, #tpu.memory_space<vmem_shared>> -> memref<32x128xf32, #tpu.memory_space<vmem_shared>>
        %dma_wait3A_95 = arith.constant 0 : i32
        %dma_wait3A_96 = tpu.memref_slice %arg7[%add3A_57, %dma_wait3A_95] : memref<5040x128xf32, #tpu.memory_space<vmem_shared>> -> memref<32x128xf32, #tpu.memory_space<vmem_shared>>
        tpu.wait_dma2 semaphore(%run_scoped3A : memref<!tpu.dma_semaphore, #tpu.memory_space<semaphore_mem>>) src(%arg10 : memref<32x128xf32, #tpu.memory_space<vmem>>) dst(%dma_wait3A_96 : memref<32x128xf32, #tpu.memory_space<vmem_shared>>)
        tpu.yield
      }) : () -> ()
      %mul3A_58 = arith.constant 320 : i32
      %mul3A_59 = arith.muli %arg1, %mul3A_58 : i32
      %add3A_60 = arith.constant 64 : i32
      %add3A_61 = arith.addi %mul3A_59, %add3A_60 : i32
      "tpu.region"() ({
        %run_scoped3A = tpu.sem_alloc : memref<!tpu.dma_semaphore, #tpu.memory_space<semaphore_mem>>
        %dma_start3A_90 = arith.constant 0 : i32
        %dma_start3A_91 = tpu.memref_slice %arg7[%add3A_61, %dma_start3A_90] : memref<5040x128xf32, #tpu.memory_space<vmem_shared>> -> memref<32x128xf32, #tpu.memory_space<vmem_shared>>
        %dma_start3A_92 = arith.constant 0 : i32
        %dma_start3A_93 = tpu.memref_slice %arg7[%add3A_61, %dma_start3A_92] : memref<5040x128xf32, #tpu.memory_space<vmem_shared>> -> memref<32x128xf32, #tpu.memory_space<vmem_shared>>
        tpu.enqueue_dma source(%arg10 : memref<32x128xf32, #tpu.memory_space<vmem>>) target(%dma_start3A_93 : memref<32x128xf32, #tpu.memory_space<vmem_shared>>) target_semaphore(%run_scoped3A : memref<!tpu.dma_semaphore, #tpu.memory_space<semaphore_mem>>)
        %dma_wait3A = arith.constant 0 : i32
        %dma_wait3A_94 = tpu.memref_slice %arg7[%add3A_61, %dma_wait3A] : memref<5040x128xf32, #tpu.memory_space<vmem_shared>> -> memref<32x128xf32, #tpu.memory_space<vmem_shared>>
        %dma_wait3A_95 = arith.constant 0 : i32
        %dma_wait3A_96 = tpu.memref_slice %arg7[%add3A_61, %dma_wait3A_95] : memref<5040x128xf32, #tpu.memory_space<vmem_shared>> -> memref<32x128xf32, #tpu.memory_space<vmem_shared>>
        tpu.wait_dma2 semaphore(%run_scoped3A : memref<!tpu.dma_semaphore, #tpu.memory_space<semaphore_mem>>) src(%arg10 : memref<32x128xf32, #tpu.memory_space<vmem>>) dst(%dma_wait3A_96 : memref<32x128xf32, #tpu.memory_space<vmem_shared>>)
        tpu.yield
      }) : () -> ()
      %mul3A_62 = arith.constant 320 : i32
      %mul3A_63 = arith.muli %arg1, %mul3A_62 : i32
      %add3A_64 = arith.constant 96 : i32
      %add3A_65 = arith.addi %mul3A_63, %add3A_64 : i32
      "tpu.region"() ({
        %run_scoped3A = tpu.sem_alloc : memref<!tpu.dma_semaphore, #tpu.memory_space<semaphore_mem>>
        %dma_start3A_90 = arith.constant 0 : i32
        %dma_start3A_91 = tpu.memref_slice %arg7[%add3A_65, %dma_start3A_90] : memref<5040x128xf32, #tpu.memory_space<vmem_shared>> -> memref<32x128xf32, #tpu.memory_space<vmem_shared>>
        %dma_start3A_92 = arith.constant 0 : i32
        %dma_start3A_93 = tpu.memref_slice %arg7[%add3A_65, %dma_start3A_92] : memref<5040x128xf32, #tpu.memory_space<vmem_shared>> -> memref<32x128xf32, #tpu.memory_space<vmem_shared>>
        tpu.enqueue_dma source(%arg10 : memref<32x128xf32, #tpu.memory_space<vmem>>) target(%dma_start3A_93 : memref<32x128xf32, #tpu.memory_space<vmem_shared>>) target_semaphore(%run_scoped3A : memref<!tpu.dma_semaphore, #tpu.memory_space<semaphore_mem>>)
        %dma_wait3A = arith.constant 0 : i32
        %dma_wait3A_94 = tpu.memref_slice %arg7[%add3A_65, %dma_wait3A] : memref<5040x128xf32, #tpu.memory_space<vmem_shared>> -> memref<32x128xf32, #tpu.memory_space<vmem_shared>>
        %dma_wait3A_95 = arith.constant 0 : i32
        %dma_wait3A_96 = tpu.memref_slice %arg7[%add3A_65, %dma_wait3A_95] : memref<5040x128xf32, #tpu.memory_space<vmem_shared>> -> memref<32x128xf32, #tpu.memory_space<vmem_shared>>
        tpu.wait_dma2 semaphore(%run_scoped3A : memref<!tpu.dma_semaphore, #tpu.memory_space<semaphore_mem>>) src(%arg10 : memref<32x128xf32, #tpu.memory_space<vmem>>) dst(%dma_wait3A_96 : memref<32x128xf32, #tpu.memory_space<vmem_shared>>)
        tpu.yield
      }) : () -> ()
      %mul3A_66 = arith.constant 320 : i32
      %mul3A_67 = arith.muli %arg1, %mul3A_66 : i32
      %add3A_68 = arith.constant 128 : i32
      %add3A_69 = arith.addi %mul3A_67, %add3A_68 : i32
      "tpu.region"() ({
        %run_scoped3A = tpu.sem_alloc : memref<!tpu.dma_semaphore, #tpu.memory_space<semaphore_mem>>
        %dma_start3A_90 = arith.constant 0 : i32
        %dma_start3A_91 = tpu.memref_slice %arg7[%add3A_69, %dma_start3A_90] : memref<5040x128xf32, #tpu.memory_space<vmem_shared>> -> memref<32x128xf32, #tpu.memory_space<vmem_shared>>
        %dma_start3A_92 = arith.constant 0 : i32
        %dma_start3A_93 = tpu.memref_slice %arg7[%add3A_69, %dma_start3A_92] : memref<5040x128xf32, #tpu.memory_space<vmem_shared>> -> memref<32x128xf32, #tpu.memory_space<vmem_shared>>
        tpu.enqueue_dma source(%arg10 : memref<32x128xf32, #tpu.memory_space<vmem>>) target(%dma_start3A_93 : memref<32x128xf32, #tpu.memory_space<vmem_shared>>) target_semaphore(%run_scoped3A : memref<!tpu.dma_semaphore, #tpu.memory_space<semaphore_mem>>)
        %dma_wait3A = arith.constant 0 : i32
        %dma_wait3A_94 = tpu.memref_slice %arg7[%add3A_69, %dma_wait3A] : memref<5040x128xf32, #tpu.memory_space<vmem_shared>> -> memref<32x128xf32, #tpu.memory_space<vmem_shared>>
        %dma_wait3A_95 = arith.constant 0 : i32
        %dma_wait3A_96 = tpu.memref_slice %arg7[%add3A_69, %dma_wait3A_95] : memref<5040x128xf32, #tpu.memory_space<vmem_shared>> -> memref<32x128xf32, #tpu.memory_space<vmem_shared>>
        tpu.wait_dma2 semaphore(%run_scoped3A : memref<!tpu.dma_semaphore, #tpu.memory_space<semaphore_mem>>) src(%arg10 : memref<32x128xf32, #tpu.memory_space<vmem>>) dst(%dma_wait3A_96 : memref<32x128xf32, #tpu.memory_space<vmem_shared>>)
        tpu.yield
      }) : () -> ()
      %mul3A_70 = arith.constant 320 : i32
      %mul3A_71 = arith.muli %arg1, %mul3A_70 : i32
      %add3A_72 = arith.constant 160 : i32
      %add3A_73 = arith.addi %mul3A_71, %add3A_72 : i32
      "tpu.region"() ({
        %run_scoped3A = tpu.sem_alloc : memref<!tpu.dma_semaphore, #tpu.memory_space<semaphore_mem>>
        %dma_start3A_90 = arith.constant 0 : i32
        %dma_start3A_91 = tpu.memref_slice %arg7[%add3A_73, %dma_start3A_90] : memref<5040x128xf32, #tpu.memory_space<vmem_shared>> -> memref<32x128xf32, #tpu.memory_space<vmem_shared>>
        %dma_start3A_92 = arith.constant 0 : i32
        %dma_start3A_93 = tpu.memref_slice %arg7[%add3A_73, %dma_start3A_92] : memref<5040x128xf32, #tpu.memory_space<vmem_shared>> -> memref<32x128xf32, #tpu.memory_space<vmem_shared>>
        tpu.enqueue_dma source(%arg10 : memref<32x128xf32, #tpu.memory_space<vmem>>) target(%dma_start3A_93 : memref<32x128xf32, #tpu.memory_space<vmem_shared>>) target_semaphore(%run_scoped3A : memref<!tpu.dma_semaphore, #tpu.memory_space<semaphore_mem>>)
        %dma_wait3A = arith.constant 0 : i32
        %dma_wait3A_94 = tpu.memref_slice %arg7[%add3A_73, %dma_wait3A] : memref<5040x128xf32, #tpu.memory_space<vmem_shared>> -> memref<32x128xf32, #tpu.memory_space<vmem_shared>>
        %dma_wait3A_95 = arith.constant 0 : i32
        %dma_wait3A_96 = tpu.memref_slice %arg7[%add3A_73, %dma_wait3A_95] : memref<5040x128xf32, #tpu.memory_space<vmem_shared>> -> memref<32x128xf32, #tpu.memory_space<vmem_shared>>
        tpu.wait_dma2 semaphore(%run_scoped3A : memref<!tpu.dma_semaphore, #tpu.memory_space<semaphore_mem>>) src(%arg10 : memref<32x128xf32, #tpu.memory_space<vmem>>) dst(%dma_wait3A_96 : memref<32x128xf32, #tpu.memory_space<vmem_shared>>)
        tpu.yield
      }) : () -> ()
      %mul3A_74 = arith.constant 320 : i32
      %mul3A_75 = arith.muli %arg1, %mul3A_74 : i32
      %add3A_76 = arith.constant 192 : i32
      %add3A_77 = arith.addi %mul3A_75, %add3A_76 : i32
      "tpu.region"() ({
        %run_scoped3A = tpu.sem_alloc : memref<!tpu.dma_semaphore, #tpu.memory_space<semaphore_mem>>
        %dma_start3A_90 = arith.constant 0 : i32
        %dma_start3A_91 = tpu.memref_slice %arg7[%add3A_77, %dma_start3A_90] : memref<5040x128xf32, #tpu.memory_space<vmem_shared>> -> memref<32x128xf32, #tpu.memory_space<vmem_shared>>
        %dma_start3A_92 = arith.constant 0 : i32
        %dma_start3A_93 = tpu.memref_slice %arg7[%add3A_77, %dma_start3A_92] : memref<5040x128xf32, #tpu.memory_space<vmem_shared>> -> memref<32x128xf32, #tpu.memory_space<vmem_shared>>
        tpu.enqueue_dma source(%arg10 : memref<32x128xf32, #tpu.memory_space<vmem>>) target(%dma_start3A_93 : memref<32x128xf32, #tpu.memory_space<vmem_shared>>) target_semaphore(%run_scoped3A : memref<!tpu.dma_semaphore, #tpu.memory_space<semaphore_mem>>)
        %dma_wait3A = arith.constant 0 : i32
        %dma_wait3A_94 = tpu.memref_slice %arg7[%add3A_77, %dma_wait3A] : memref<5040x128xf32, #tpu.memory_space<vmem_shared>> -> memref<32x128xf32, #tpu.memory_space<vmem_shared>>
        %dma_wait3A_95 = arith.constant 0 : i32
        %dma_wait3A_96 = tpu.memref_slice %arg7[%add3A_77, %dma_wait3A_95] : memref<5040x128xf32, #tpu.memory_space<vmem_shared>> -> memref<32x128xf32, #tpu.memory_space<vmem_shared>>
        tpu.wait_dma2 semaphore(%run_scoped3A : memref<!tpu.dma_semaphore, #tpu.memory_space<semaphore_mem>>) src(%arg10 : memref<32x128xf32, #tpu.memory_space<vmem>>) dst(%dma_wait3A_96 : memref<32x128xf32, #tpu.memory_space<vmem_shared>>)
        tpu.yield
      }) : () -> ()
      %mul3A_78 = arith.constant 320 : i32
      %mul3A_79 = arith.muli %arg1, %mul3A_78 : i32
      %add3A_80 = arith.constant 224 : i32
      %add3A_81 = arith.addi %mul3A_79, %add3A_80 : i32
      "tpu.region"() ({
        %run_scoped3A = tpu.sem_alloc : memref<!tpu.dma_semaphore, #tpu.memory_space<semaphore_mem>>
        %dma_start3A_90 = arith.constant 0 : i32
        %dma_start3A_91 = tpu.memref_slice %arg7[%add3A_81, %dma_start3A_90] : memref<5040x128xf32, #tpu.memory_space<vmem_shared>> -> memref<32x128xf32, #tpu.memory_space<vmem_shared>>
        %dma_start3A_92 = arith.constant 0 : i32
        %dma_start3A_93 = tpu.memref_slice %arg7[%add3A_81, %dma_start3A_92] : memref<5040x128xf32, #tpu.memory_space<vmem_shared>> -> memref<32x128xf32, #tpu.memory_space<vmem_shared>>
        tpu.enqueue_dma source(%arg10 : memref<32x128xf32, #tpu.memory_space<vmem>>) target(%dma_start3A_93 : memref<32x128xf32, #tpu.memory_space<vmem_shared>>) target_semaphore(%run_scoped3A : memref<!tpu.dma_semaphore, #tpu.memory_space<semaphore_mem>>)
        %dma_wait3A = arith.constant 0 : i32
        %dma_wait3A_94 = tpu.memref_slice %arg7[%add3A_81, %dma_wait3A] : memref<5040x128xf32, #tpu.memory_space<vmem_shared>> -> memref<32x128xf32, #tpu.memory_space<vmem_shared>>
        %dma_wait3A_95 = arith.constant 0 : i32
        %dma_wait3A_96 = tpu.memref_slice %arg7[%add3A_81, %dma_wait3A_95] : memref<5040x128xf32, #tpu.memory_space<vmem_shared>> -> memref<32x128xf32, #tpu.memory_space<vmem_shared>>
        tpu.wait_dma2 semaphore(%run_scoped3A : memref<!tpu.dma_semaphore, #tpu.memory_space<semaphore_mem>>) src(%arg10 : memref<32x128xf32, #tpu.memory_space<vmem>>) dst(%dma_wait3A_96 : memref<32x128xf32, #tpu.memory_space<vmem_shared>>)
        tpu.yield
      }) : () -> ()
      %mul3A_82 = arith.constant 320 : i32
      %mul3A_83 = arith.muli %arg1, %mul3A_82 : i32
      %add3A_84 = arith.constant 256 : i32
      %add3A_85 = arith.addi %mul3A_83, %add3A_84 : i32
      "tpu.region"() ({
        %run_scoped3A = tpu.sem_alloc : memref<!tpu.dma_semaphore, #tpu.memory_space<semaphore_mem>>
        %dma_start3A_90 = arith.constant 0 : i32
        %dma_start3A_91 = tpu.memref_slice %arg7[%add3A_85, %dma_start3A_90] : memref<5040x128xf32, #tpu.memory_space<vmem_shared>> -> memref<32x128xf32, #tpu.memory_space<vmem_shared>>
        %dma_start3A_92 = arith.constant 0 : i32
        %dma_start3A_93 = tpu.memref_slice %arg7[%add3A_85, %dma_start3A_92] : memref<5040x128xf32, #tpu.memory_space<vmem_shared>> -> memref<32x128xf32, #tpu.memory_space<vmem_shared>>
        tpu.enqueue_dma source(%arg10 : memref<32x128xf32, #tpu.memory_space<vmem>>) target(%dma_start3A_93 : memref<32x128xf32, #tpu.memory_space<vmem_shared>>) target_semaphore(%run_scoped3A : memref<!tpu.dma_semaphore, #tpu.memory_space<semaphore_mem>>)
        %dma_wait3A = arith.constant 0 : i32
        %dma_wait3A_94 = tpu.memref_slice %arg7[%add3A_85, %dma_wait3A] : memref<5040x128xf32, #tpu.memory_space<vmem_shared>> -> memref<32x128xf32, #tpu.memory_space<vmem_shared>>
        %dma_wait3A_95 = arith.constant 0 : i32
        %dma_wait3A_96 = tpu.memref_slice %arg7[%add3A_85, %dma_wait3A_95] : memref<5040x128xf32, #tpu.memory_space<vmem_shared>> -> memref<32x128xf32, #tpu.memory_space<vmem_shared>>
        tpu.wait_dma2 semaphore(%run_scoped3A : memref<!tpu.dma_semaphore, #tpu.memory_space<semaphore_mem>>) src(%arg10 : memref<32x128xf32, #tpu.memory_space<vmem>>) dst(%dma_wait3A_96 : memref<32x128xf32, #tpu.memory_space<vmem_shared>>)
        tpu.yield
      }) : () -> ()
      %mul3A_86 = arith.constant 320 : i32
      %mul3A_87 = arith.muli %arg1, %mul3A_86 : i32
      %add3A_88 = arith.constant 288 : i32
      %add3A_89 = arith.addi %mul3A_87, %add3A_88 : i32
      "tpu.region"() ({
        %run_scoped3A = tpu.sem_alloc : memref<!tpu.dma_semaphore, #tpu.memory_space<semaphore_mem>>
        %dma_start3A_90 = arith.constant 0 : i32
        %dma_start3A_91 = tpu.memref_slice %arg7[%add3A_89, %dma_start3A_90] : memref<5040x128xf32, #tpu.memory_space<vmem_shared>> -> memref<32x128xf32, #tpu.memory_space<vmem_shared>>
        %dma_start3A_92 = arith.constant 0 : i32
        %dma_start3A_93 = tpu.memref_slice %arg7[%add3A_89, %dma_start3A_92] : memref<5040x128xf32, #tpu.memory_space<vmem_shared>> -> memref<32x128xf32, #tpu.memory_space<vmem_shared>>
        tpu.enqueue_dma source(%arg10 : memref<32x128xf32, #tpu.memory_space<vmem>>) target(%dma_start3A_93 : memref<32x128xf32, #tpu.memory_space<vmem_shared>>) target_semaphore(%run_scoped3A : memref<!tpu.dma_semaphore, #tpu.memory_space<semaphore_mem>>)
        %dma_wait3A = arith.constant 0 : i32
        %dma_wait3A_94 = tpu.memref_slice %arg7[%add3A_89, %dma_wait3A] : memref<5040x128xf32, #tpu.memory_space<vmem_shared>> -> memref<32x128xf32, #tpu.memory_space<vmem_shared>>
        %dma_wait3A_95 = arith.constant 0 : i32
        %dma_wait3A_96 = tpu.memref_slice %arg7[%add3A_89, %dma_wait3A_95] : memref<5040x128xf32, #tpu.memory_space<vmem_shared>> -> memref<32x128xf32, #tpu.memory_space<vmem_shared>>
        tpu.wait_dma2 semaphore(%run_scoped3A : memref<!tpu.dma_semaphore, #tpu.memory_space<semaphore_mem>>) src(%arg10 : memref<32x128xf32, #tpu.memory_space<vmem>>) dst(%dma_wait3A_96 : memref<32x128xf32, #tpu.memory_space<vmem_shared>>)
        tpu.yield
      }) : () -> ()
    } else {
    }
    %eq3A_18 = arith.constant 15 : i32
    %eq3A_19 = arith.cmpi eq, %arg1, %eq3A_18 : i32
    %convert_element_type3A_20 = arith.extui %eq3A_19 : i1 to i32
    %cond3A_21 = arith.constant 0 : i32
    %cond3A_22 = arith.cmpi ne, %convert_element_type3A_20, %cond3A_21 : i32
    scf.if %cond3A_22 {
      "tpu.region"() ({
        %run_scoped3A = tpu.sem_alloc : memref<!tpu.dma_semaphore, #tpu.memory_space<semaphore_mem>>
        %dma_start3A_51 = arith.constant 4720 : i32
        %dma_start3A_52 = arith.constant 0 : i32
        %dma_start3A_53 = tpu.memref_slice %arg7[%dma_start3A_51, %dma_start3A_52] : memref<5040x128xf32, #tpu.memory_space<vmem_shared>> -> memref<32x128xf32, #tpu.memory_space<vmem_shared>>
        %dma_start3A_54 = arith.constant 4720 : i32
        %dma_start3A_55 = arith.constant 0 : i32
        %dma_start3A_56 = tpu.memref_slice %arg7[%dma_start3A_54, %dma_start3A_55] : memref<5040x128xf32, #tpu.memory_space<vmem_shared>> -> memref<32x128xf32, #tpu.memory_space<vmem_shared>>
        tpu.enqueue_dma source(%arg10 : memref<32x128xf32, #tpu.memory_space<vmem>>) target(%dma_start3A_56 : memref<32x128xf32, #tpu.memory_space<vmem_shared>>) target_semaphore(%run_scoped3A : memref<!tpu.dma_semaphore, #tpu.memory_space<semaphore_mem>>)
        %dma_wait3A = arith.constant 4720 : i32
        %dma_wait3A_57 = arith.constant 0 : i32
        %dma_wait3A_58 = tpu.memref_slice %arg7[%dma_wait3A, %dma_wait3A_57] : memref<5040x128xf32, #tpu.memory_space<vmem_shared>> -> memref<32x128xf32, #tpu.memory_space<vmem_shared>>
        %dma_wait3A_59 = arith.constant 4720 : i32
        %dma_wait3A_60 = arith.constant 0 : i32
        %dma_wait3A_61 = tpu.memref_slice %arg7[%dma_wait3A_59, %dma_wait3A_60] : memref<5040x128xf32, #tpu.memory_space<vmem_shared>> -> memref<32x128xf32, #tpu.memory_space<vmem_shared>>
        tpu.wait_dma2 semaphore(%run_scoped3A : memref<!tpu.dma_semaphore, #tpu.memory_space<semaphore_mem>>) src(%arg10 : memref<32x128xf32, #tpu.memory_space<vmem>>) dst(%dma_wait3A_61 : memref<32x128xf32, #tpu.memory_space<vmem_shared>>)
        tpu.yield
      }) : () -> ()
      "tpu.region"() ({
        %run_scoped3A = tpu.sem_alloc : memref<!tpu.dma_semaphore, #tpu.memory_space<semaphore_mem>>
        %dma_start3A_51 = arith.constant 4752 : i32
        %dma_start3A_52 = arith.constant 0 : i32
        %dma_start3A_53 = tpu.memref_slice %arg7[%dma_start3A_51, %dma_start3A_52] : memref<5040x128xf32, #tpu.memory_space<vmem_shared>> -> memref<32x128xf32, #tpu.memory_space<vmem_shared>>
        %dma_start3A_54 = arith.constant 4752 : i32
        %dma_start3A_55 = arith.constant 0 : i32
        %dma_start3A_56 = tpu.memref_slice %arg7[%dma_start3A_54, %dma_start3A_55] : memref<5040x128xf32, #tpu.memory_space<vmem_shared>> -> memref<32x128xf32, #tpu.memory_space<vmem_shared>>
        tpu.enqueue_dma source(%arg10 : memref<32x128xf32, #tpu.memory_space<vmem>>) target(%dma_start3A_56 : memref<32x128xf32, #tpu.memory_space<vmem_shared>>) target_semaphore(%run_scoped3A : memref<!tpu.dma_semaphore, #tpu.memory_space<semaphore_mem>>)
        %dma_wait3A = arith.constant 4752 : i32
        %dma_wait3A_57 = arith.constant 0 : i32
        %dma_wait3A_58 = tpu.memref_slice %arg7[%dma_wait3A, %dma_wait3A_57] : memref<5040x128xf32, #tpu.memory_space<vmem_shared>> -> memref<32x128xf32, #tpu.memory_space<vmem_shared>>
        %dma_wait3A_59 = arith.constant 4752 : i32
        %dma_wait3A_60 = arith.constant 0 : i32
        %dma_wait3A_61 = tpu.memref_slice %arg7[%dma_wait3A_59, %dma_wait3A_60] : memref<5040x128xf32, #tpu.memory_space<vmem_shared>> -> memref<32x128xf32, #tpu.memory_space<vmem_shared>>
        tpu.wait_dma2 semaphore(%run_scoped3A : memref<!tpu.dma_semaphore, #tpu.memory_space<semaphore_mem>>) src(%arg10 : memref<32x128xf32, #tpu.memory_space<vmem>>) dst(%dma_wait3A_61 : memref<32x128xf32, #tpu.memory_space<vmem_shared>>)
        tpu.yield
      }) : () -> ()
      "tpu.region"() ({
        %run_scoped3A = tpu.sem_alloc : memref<!tpu.dma_semaphore, #tpu.memory_space<semaphore_mem>>
        %dma_start3A_51 = arith.constant 4784 : i32
        %dma_start3A_52 = arith.constant 0 : i32
        %dma_start3A_53 = tpu.memref_slice %arg7[%dma_start3A_51, %dma_start3A_52] : memref<5040x128xf32, #tpu.memory_space<vmem_shared>> -> memref<32x128xf32, #tpu.memory_space<vmem_shared>>
        %dma_start3A_54 = arith.constant 4784 : i32
        %dma_start3A_55 = arith.constant 0 : i32
        %dma_start3A_56 = tpu.memref_slice %arg7[%dma_start3A_54, %dma_start3A_55] : memref<5040x128xf32, #tpu.memory_space<vmem_shared>> -> memref<32x128xf32, #tpu.memory_space<vmem_shared>>
        tpu.enqueue_dma source(%arg10 : memref<32x128xf32, #tpu.memory_space<vmem>>) target(%dma_start3A_56 : memref<32x128xf32, #tpu.memory_space<vmem_shared>>) target_semaphore(%run_scoped3A : memref<!tpu.dma_semaphore, #tpu.memory_space<semaphore_mem>>)
        %dma_wait3A = arith.constant 4784 : i32
        %dma_wait3A_57 = arith.constant 0 : i32
        %dma_wait3A_58 = tpu.memref_slice %arg7[%dma_wait3A, %dma_wait3A_57] : memref<5040x128xf32, #tpu.memory_space<vmem_shared>> -> memref<32x128xf32, #tpu.memory_space<vmem_shared>>
        %dma_wait3A_59 = arith.constant 4784 : i32
        %dma_wait3A_60 = arith.constant 0 : i32
        %dma_wait3A_61 = tpu.memref_slice %arg7[%dma_wait3A_59, %dma_wait3A_60] : memref<5040x128xf32, #tpu.memory_space<vmem_shared>> -> memref<32x128xf32, #tpu.memory_space<vmem_shared>>
        tpu.wait_dma2 semaphore(%run_scoped3A : memref<!tpu.dma_semaphore, #tpu.memory_space<semaphore_mem>>) src(%arg10 : memref<32x128xf32, #tpu.memory_space<vmem>>) dst(%dma_wait3A_61 : memref<32x128xf32, #tpu.memory_space<vmem_shared>>)
        tpu.yield
      }) : () -> ()
      "tpu.region"() ({
        %run_scoped3A = tpu.sem_alloc : memref<!tpu.dma_semaphore, #tpu.memory_space<semaphore_mem>>
        %dma_start3A_51 = arith.constant 4816 : i32
        %dma_start3A_52 = arith.constant 0 : i32
        %dma_start3A_53 = tpu.memref_slice %arg7[%dma_start3A_51, %dma_start3A_52] : memref<5040x128xf32, #tpu.memory_space<vmem_shared>> -> memref<32x128xf32, #tpu.memory_space<vmem_shared>>
        %dma_start3A_54 = arith.constant 4816 : i32
        %dma_start3A_55 = arith.constant 0 : i32
        %dma_start3A_56 = tpu.memref_slice %arg7[%dma_start3A_54, %dma_start3A_55] : memref<5040x128xf32, #tpu.memory_space<vmem_shared>> -> memref<32x128xf32, #tpu.memory_space<vmem_shared>>
        tpu.enqueue_dma source(%arg10 : memref<32x128xf32, #tpu.memory_space<vmem>>) target(%dma_start3A_56 : memref<32x128xf32, #tpu.memory_space<vmem_shared>>) target_semaphore(%run_scoped3A : memref<!tpu.dma_semaphore, #tpu.memory_space<semaphore_mem>>)
        %dma_wait3A = arith.constant 4816 : i32
        %dma_wait3A_57 = arith.constant 0 : i32
        %dma_wait3A_58 = tpu.memref_slice %arg7[%dma_wait3A, %dma_wait3A_57] : memref<5040x128xf32, #tpu.memory_space<vmem_shared>> -> memref<32x128xf32, #tpu.memory_space<vmem_shared>>
        %dma_wait3A_59 = arith.constant 4816 : i32
        %dma_wait3A_60 = arith.constant 0 : i32
        %dma_wait3A_61 = tpu.memref_slice %arg7[%dma_wait3A_59, %dma_wait3A_60] : memref<5040x128xf32, #tpu.memory_space<vmem_shared>> -> memref<32x128xf32, #tpu.memory_space<vmem_shared>>
        tpu.wait_dma2 semaphore(%run_scoped3A : memref<!tpu.dma_semaphore, #tpu.memory_space<semaphore_mem>>) src(%arg10 : memref<32x128xf32, #tpu.memory_space<vmem>>) dst(%dma_wait3A_61 : memref<32x128xf32, #tpu.memory_space<vmem_shared>>)
        tpu.yield
      }) : () -> ()
      "tpu.region"() ({
        %run_scoped3A = tpu.sem_alloc : memref<!tpu.dma_semaphore, #tpu.memory_space<semaphore_mem>>
        %dma_start3A_51 = arith.constant 4848 : i32
        %dma_start3A_52 = arith.constant 0 : i32
        %dma_start3A_53 = tpu.memref_slice %arg7[%dma_start3A_51, %dma_start3A_52] : memref<5040x128xf32, #tpu.memory_space<vmem_shared>> -> memref<32x128xf32, #tpu.memory_space<vmem_shared>>
        %dma_start3A_54 = arith.constant 4848 : i32
        %dma_start3A_55 = arith.constant 0 : i32
        %dma_start3A_56 = tpu.memref_slice %arg7[%dma_start3A_54, %dma_start3A_55] : memref<5040x128xf32, #tpu.memory_space<vmem_shared>> -> memref<32x128xf32, #tpu.memory_space<vmem_shared>>
        tpu.enqueue_dma source(%arg10 : memref<32x128xf32, #tpu.memory_space<vmem>>) target(%dma_start3A_56 : memref<32x128xf32, #tpu.memory_space<vmem_shared>>) target_semaphore(%run_scoped3A : memref<!tpu.dma_semaphore, #tpu.memory_space<semaphore_mem>>)
        %dma_wait3A = arith.constant 4848 : i32
        %dma_wait3A_57 = arith.constant 0 : i32
        %dma_wait3A_58 = tpu.memref_slice %arg7[%dma_wait3A, %dma_wait3A_57] : memref<5040x128xf32, #tpu.memory_space<vmem_shared>> -> memref<32x128xf32, #tpu.memory_space<vmem_shared>>
        %dma_wait3A_59 = arith.constant 4848 : i32
        %dma_wait3A_60 = arith.constant 0 : i32
        %dma_wait3A_61 = tpu.memref_slice %arg7[%dma_wait3A_59, %dma_wait3A_60] : memref<5040x128xf32, #tpu.memory_space<vmem_shared>> -> memref<32x128xf32, #tpu.memory_space<vmem_shared>>
        tpu.wait_dma2 semaphore(%run_scoped3A : memref<!tpu.dma_semaphore, #tpu.memory_space<semaphore_mem>>) src(%arg10 : memref<32x128xf32, #tpu.memory_space<vmem>>) dst(%dma_wait3A_61 : memref<32x128xf32, #tpu.memory_space<vmem_shared>>)
        tpu.yield
      }) : () -> ()
      "tpu.region"() ({
        %run_scoped3A = tpu.sem_alloc : memref<!tpu.dma_semaphore, #tpu.memory_space<semaphore_mem>>
        %dma_start3A_51 = arith.constant 4880 : i32
        %dma_start3A_52 = arith.constant 0 : i32
        %dma_start3A_53 = tpu.memref_slice %arg7[%dma_start3A_51, %dma_start3A_52] : memref<5040x128xf32, #tpu.memory_space<vmem_shared>> -> memref<32x128xf32, #tpu.memory_space<vmem_shared>>
        %dma_start3A_54 = arith.constant 4880 : i32
        %dma_start3A_55 = arith.constant 0 : i32
        %dma_start3A_56 = tpu.memref_slice %arg7[%dma_start3A_54, %dma_start3A_55] : memref<5040x128xf32, #tpu.memory_space<vmem_shared>> -> memref<32x128xf32, #tpu.memory_space<vmem_shared>>
        tpu.enqueue_dma source(%arg10 : memref<32x128xf32, #tpu.memory_space<vmem>>) target(%dma_start3A_56 : memref<32x128xf32, #tpu.memory_space<vmem_shared>>) target_semaphore(%run_scoped3A : memref<!tpu.dma_semaphore, #tpu.memory_space<semaphore_mem>>)
        %dma_wait3A = arith.constant 4880 : i32
        %dma_wait3A_57 = arith.constant 0 : i32
        %dma_wait3A_58 = tpu.memref_slice %arg7[%dma_wait3A, %dma_wait3A_57] : memref<5040x128xf32, #tpu.memory_space<vmem_shared>> -> memref<32x128xf32, #tpu.memory_space<vmem_shared>>
        %dma_wait3A_59 = arith.constant 4880 : i32
        %dma_wait3A_60 = arith.constant 0 : i32
        %dma_wait3A_61 = tpu.memref_slice %arg7[%dma_wait3A_59, %dma_wait3A_60] : memref<5040x128xf32, #tpu.memory_space<vmem_shared>> -> memref<32x128xf32, #tpu.memory_space<vmem_shared>>
        tpu.wait_dma2 semaphore(%run_scoped3A : memref<!tpu.dma_semaphore, #tpu.memory_space<semaphore_mem>>) src(%arg10 : memref<32x128xf32, #tpu.memory_space<vmem>>) dst(%dma_wait3A_61 : memref<32x128xf32, #tpu.memory_space<vmem_shared>>)
        tpu.yield
      }) : () -> ()
      "tpu.region"() ({
        %run_scoped3A = tpu.sem_alloc : memref<!tpu.dma_semaphore, #tpu.memory_space<semaphore_mem>>
        %dma_start3A_51 = arith.constant 4912 : i32
        %dma_start3A_52 = arith.constant 0 : i32
        %dma_start3A_53 = tpu.memref_slice %arg7[%dma_start3A_51, %dma_start3A_52] : memref<5040x128xf32, #tpu.memory_space<vmem_shared>> -> memref<32x128xf32, #tpu.memory_space<vmem_shared>>
        %dma_start3A_54 = arith.constant 4912 : i32
        %dma_start3A_55 = arith.constant 0 : i32
        %dma_start3A_56 = tpu.memref_slice %arg7[%dma_start3A_54, %dma_start3A_55] : memref<5040x128xf32, #tpu.memory_space<vmem_shared>> -> memref<32x128xf32, #tpu.memory_space<vmem_shared>>
        tpu.enqueue_dma source(%arg10 : memref<32x128xf32, #tpu.memory_space<vmem>>) target(%dma_start3A_56 : memref<32x128xf32, #tpu.memory_space<vmem_shared>>) target_semaphore(%run_scoped3A : memref<!tpu.dma_semaphore, #tpu.memory_space<semaphore_mem>>)
        %dma_wait3A = arith.constant 4912 : i32
        %dma_wait3A_57 = arith.constant 0 : i32
        %dma_wait3A_58 = tpu.memref_slice %arg7[%dma_wait3A, %dma_wait3A_57] : memref<5040x128xf32, #tpu.memory_space<vmem_shared>> -> memref<32x128xf32, #tpu.memory_space<vmem_shared>>
        %dma_wait3A_59 = arith.constant 4912 : i32
        %dma_wait3A_60 = arith.constant 0 : i32
        %dma_wait3A_61 = tpu.memref_slice %arg7[%dma_wait3A_59, %dma_wait3A_60] : memref<5040x128xf32, #tpu.memory_space<vmem_shared>> -> memref<32x128xf32, #tpu.memory_space<vmem_shared>>
        tpu.wait_dma2 semaphore(%run_scoped3A : memref<!tpu.dma_semaphore, #tpu.memory_space<semaphore_mem>>) src(%arg10 : memref<32x128xf32, #tpu.memory_space<vmem>>) dst(%dma_wait3A_61 : memref<32x128xf32, #tpu.memory_space<vmem_shared>>)
        tpu.yield
      }) : () -> ()
      "tpu.region"() ({
        %run_scoped3A = tpu.sem_alloc : memref<!tpu.dma_semaphore, #tpu.memory_space<semaphore_mem>>
        %dma_start3A_51 = arith.constant 4944 : i32
        %dma_start3A_52 = arith.constant 0 : i32
        %dma_start3A_53 = tpu.memref_slice %arg7[%dma_start3A_51, %dma_start3A_52] : memref<5040x128xf32, #tpu.memory_space<vmem_shared>> -> memref<32x128xf32, #tpu.memory_space<vmem_shared>>
        %dma_start3A_54 = arith.constant 4944 : i32
        %dma_start3A_55 = arith.constant 0 : i32
        %dma_start3A_56 = tpu.memref_slice %arg7[%dma_start3A_54, %dma_start3A_55] : memref<5040x128xf32, #tpu.memory_space<vmem_shared>> -> memref<32x128xf32, #tpu.memory_space<vmem_shared>>
        tpu.enqueue_dma source(%arg10 : memref<32x128xf32, #tpu.memory_space<vmem>>) target(%dma_start3A_56 : memref<32x128xf32, #tpu.memory_space<vmem_shared>>) target_semaphore(%run_scoped3A : memref<!tpu.dma_semaphore, #tpu.memory_space<semaphore_mem>>)
        %dma_wait3A = arith.constant 4944 : i32
        %dma_wait3A_57 = arith.constant 0 : i32
        %dma_wait3A_58 = tpu.memref_slice %arg7[%dma_wait3A, %dma_wait3A_57] : memref<5040x128xf32, #tpu.memory_space<vmem_shared>> -> memref<32x128xf32, #tpu.memory_space<vmem_shared>>
        %dma_wait3A_59 = arith.constant 4944 : i32
        %dma_wait3A_60 = arith.constant 0 : i32
        %dma_wait3A_61 = tpu.memref_slice %arg7[%dma_wait3A_59, %dma_wait3A_60] : memref<5040x128xf32, #tpu.memory_space<vmem_shared>> -> memref<32x128xf32, #tpu.memory_space<vmem_shared>>
        tpu.wait_dma2 semaphore(%run_scoped3A : memref<!tpu.dma_semaphore, #tpu.memory_space<semaphore_mem>>) src(%arg10 : memref<32x128xf32, #tpu.memory_space<vmem>>) dst(%dma_wait3A_61 : memref<32x128xf32, #tpu.memory_space<vmem_shared>>)
        tpu.yield
      }) : () -> ()
      "tpu.region"() ({
        %run_scoped3A = tpu.sem_alloc : memref<!tpu.dma_semaphore, #tpu.memory_space<semaphore_mem>>
        %dma_start3A_51 = arith.constant 4976 : i32
        %dma_start3A_52 = arith.constant 0 : i32
        %dma_start3A_53 = tpu.memref_slice %arg7[%dma_start3A_51, %dma_start3A_52] : memref<5040x128xf32, #tpu.memory_space<vmem_shared>> -> memref<32x128xf32, #tpu.memory_space<vmem_shared>>
        %dma_start3A_54 = arith.constant 4976 : i32
        %dma_start3A_55 = arith.constant 0 : i32
        %dma_start3A_56 = tpu.memref_slice %arg7[%dma_start3A_54, %dma_start3A_55] : memref<5040x128xf32, #tpu.memory_space<vmem_shared>> -> memref<32x128xf32, #tpu.memory_space<vmem_shared>>
        tpu.enqueue_dma source(%arg10 : memref<32x128xf32, #tpu.memory_space<vmem>>) target(%dma_start3A_56 : memref<32x128xf32, #tpu.memory_space<vmem_shared>>) target_semaphore(%run_scoped3A : memref<!tpu.dma_semaphore, #tpu.memory_space<semaphore_mem>>)
        %dma_wait3A = arith.constant 4976 : i32
        %dma_wait3A_57 = arith.constant 0 : i32
        %dma_wait3A_58 = tpu.memref_slice %arg7[%dma_wait3A, %dma_wait3A_57] : memref<5040x128xf32, #tpu.memory_space<vmem_shared>> -> memref<32x128xf32, #tpu.memory_space<vmem_shared>>
        %dma_wait3A_59 = arith.constant 4976 : i32
        %dma_wait3A_60 = arith.constant 0 : i32
        %dma_wait3A_61 = tpu.memref_slice %arg7[%dma_wait3A_59, %dma_wait3A_60] : memref<5040x128xf32, #tpu.memory_space<vmem_shared>> -> memref<32x128xf32, #tpu.memory_space<vmem_shared>>
        tpu.wait_dma2 semaphore(%run_scoped3A : memref<!tpu.dma_semaphore, #tpu.memory_space<semaphore_mem>>) src(%arg10 : memref<32x128xf32, #tpu.memory_space<vmem>>) dst(%dma_wait3A_61 : memref<32x128xf32, #tpu.memory_space<vmem_shared>>)
        tpu.yield
      }) : () -> ()
      "tpu.region"() ({
        %run_scoped3A = tpu.sem_alloc : memref<!tpu.dma_semaphore, #tpu.memory_space<semaphore_mem>>
        %dma_start3A_51 = arith.constant 5008 : i32
        %dma_start3A_52 = arith.constant 0 : i32
        %dma_start3A_53 = tpu.memref_slice %arg7[%dma_start3A_51, %dma_start3A_52] : memref<5040x128xf32, #tpu.memory_space<vmem_shared>> -> memref<32x128xf32, #tpu.memory_space<vmem_shared>>
        %dma_start3A_54 = arith.constant 5008 : i32
        %dma_start3A_55 = arith.constant 0 : i32
        %dma_start3A_56 = tpu.memref_slice %arg7[%dma_start3A_54, %dma_start3A_55] : memref<5040x128xf32, #tpu.memory_space<vmem_shared>> -> memref<32x128xf32, #tpu.memory_space<vmem_shared>>
        tpu.enqueue_dma source(%arg10 : memref<32x128xf32, #tpu.memory_space<vmem>>) target(%dma_start3A_56 : memref<32x128xf32, #tpu.memory_space<vmem_shared>>) target_semaphore(%run_scoped3A : memref<!tpu.dma_semaphore, #tpu.memory_space<semaphore_mem>>)
        %dma_wait3A = arith.constant 5008 : i32
        %dma_wait3A_57 = arith.constant 0 : i32
        %dma_wait3A_58 = tpu.memref_slice %arg7[%dma_wait3A, %dma_wait3A_57] : memref<5040x128xf32, #tpu.memory_space<vmem_shared>> -> memref<32x128xf32, #tpu.memory_space<vmem_shared>>
        %dma_wait3A_59 = arith.constant 5008 : i32
        %dma_wait3A_60 = arith.constant 0 : i32
        %dma_wait3A_61 = tpu.memref_slice %arg7[%dma_wait3A_59, %dma_wait3A_60] : memref<5040x128xf32, #tpu.memory_space<vmem_shared>> -> memref<32x128xf32, #tpu.memory_space<vmem_shared>>
        tpu.wait_dma2 semaphore(%run_scoped3A : memref<!tpu.dma_semaphore, #tpu.memory_space<semaphore_mem>>) src(%arg10 : memref<32x128xf32, #tpu.memory_space<vmem>>) dst(%dma_wait3A_61 : memref<32x128xf32, #tpu.memory_space<vmem_shared>>)
        tpu.yield
      }) : () -> ()
    } else {
    }
    %barrier3A = arith.constant 0 : index
    tpu.barrier barrier_id(%barrier3A)
    %mul3A = arith.constant 5008 : i32
    %mul3A_23 = arith.muli %arg0, %mul3A : i32
    %mul3A_24 = arith.constant 632 : i32
    %mul3A_25 = arith.muli %arg1, %mul3A_24 : i32
    %dma_start3A = arith.constant 0 : i32
    %dma_start3A_26 = tpu.memref_slice %arg3[%mul3A_25, %dma_start3A] : memref<10112x32xi32, #tpu.memory_space<hbm>> -> memref<8x32xi32, #tpu.memory_space<hbm>>
    %dma_start3A_27 = arith.constant 0 : i32
    %dma_start3A_28 = tpu.memref_slice %arg3[%mul3A_25, %dma_start3A_27] : memref<10112x32xi32, #tpu.memory_space<hbm>> -> memref<8x32xi32, #tpu.memory_space<hbm>>
    tpu.enqueue_dma source(%dma_start3A_28 : memref<8x32xi32, #tpu.memory_space<hbm>>) target(%arg8 : memref<8x32xi32, #tpu.memory_space<vmem>>) target_semaphore(%arg14 : memref<!tpu.dma_semaphore, #tpu.memory_space<semaphore_mem>>)
    %dma_start3A_29 = arith.constant 0 : i32
    %dma_start3A_30 = tpu.memref_slice %arg4[%mul3A_25, %dma_start3A_29] : memref<10112x32xi32, #tpu.memory_space<hbm>> -> memref<8x32xi32, #tpu.memory_space<hbm>>
    %dma_start3A_31 = arith.constant 0 : i32
    %dma_start3A_32 = tpu.memref_slice %arg4[%mul3A_25, %dma_start3A_31] : memref<10112x32xi32, #tpu.memory_space<hbm>> -> memref<8x32xi32, #tpu.memory_space<hbm>>
    tpu.enqueue_dma source(%dma_start3A_32 : memref<8x32xi32, #tpu.memory_space<hbm>>) target(%arg9 : memref<8x32xi32, #tpu.memory_space<vmem>>) target_semaphore(%arg14 : memref<!tpu.dma_semaphore, #tpu.memory_space<semaphore_mem>>)
    %scan3A_33 = arith.constant 0 : i32
    %scan3A_34 = arith.constant 0 : i32
    %scan3A_35 = arith.constant 79 : i32
    %scan3A_36 = arith.addi %scan3A_34, %scan3A_35 : i32
    %scan3A_37 = arith.constant 1 : i32
    %scan3A_38 = scf.for %scan3A_51 = %scan3A_34 to %scan3A_36 step %scan3A_37 iter_args(%scan3A_52 = %scan3A_33) -> (i32)  : i32 {
      %dma_wait3A = arith.constant 0 : i32
      %dma_wait3A_53 = tpu.memref_slice %arg3[%mul3A_25, %dma_wait3A] : memref<10112x32xi32, #tpu.memory_space<hbm>> -> memref<8x32xi32, #tpu.memory_space<hbm>>
      %dma_wait3A_54 = arith.constant 0 : i32
      %dma_wait3A_55 = tpu.memref_slice %arg3[%mul3A_25, %dma_wait3A_54] : memref<10112x32xi32, #tpu.memory_space<hbm>> -> memref<8x32xi32, #tpu.memory_space<hbm>>
      tpu.wait_dma2 semaphore(%arg14 : memref<!tpu.dma_semaphore, #tpu.memory_space<semaphore_mem>>) src(%dma_wait3A_55 : memref<8x32xi32, #tpu.memory_space<hbm>>) dst(%arg8 : memref<8x32xi32, #tpu.memory_space<vmem>>)
      %dma_wait3A_56 = arith.constant 0 : i32
      %dma_wait3A_57 = tpu.memref_slice %arg4[%mul3A_25, %dma_wait3A_56] : memref<10112x32xi32, #tpu.memory_space<hbm>> -> memref<8x32xi32, #tpu.memory_space<hbm>>
      %dma_wait3A_58 = arith.constant 0 : i32
      %dma_wait3A_59 = tpu.memref_slice %arg4[%mul3A_25, %dma_wait3A_58] : memref<10112x32xi32, #tpu.memory_space<hbm>> -> memref<8x32xi32, #tpu.memory_space<hbm>>
      tpu.wait_dma2 semaphore(%arg14 : memref<!tpu.dma_semaphore, #tpu.memory_space<semaphore_mem>>) src(%dma_wait3A_59 : memref<8x32xi32, #tpu.memory_space<hbm>>) dst(%arg9 : memref<8x32xi32, #tpu.memory_space<vmem>>)
      %add3A = arith.constant 1 : i32
      %add3A_60 = arith.addi %scan3A_51, %add3A : i32
      %mul3A_61 = arith.constant 8 : i32
      %mul3A_62 = arith.muli %add3A_60, %mul3A_61 : i32
      %add3A_63 = arith.addi %mul3A_25, %mul3A_62 : i32
      %dma_start3A_64 = arith.constant 0 : i32
      %dma_start3A_65 = arith.constant 0 : i32
      %dma_start3A_66 = tpu.memref_slice %arg8[%dma_start3A_64, %dma_start3A_65] : memref<8x32xi32, #tpu.memory_space<vmem>> -> memref<1x32xi32, #tpu.memory_space<vmem>>
      %dma_start3A_67 = tpu.memref_squeeze %dma_start3A_66 : memref<1x32xi32, #tpu.memory_space<vmem>> -> memref<32xi32, #tpu.memory_space<vmem>>
      %dma_start3A_68 = arith.constant 0 : i32
      %dma_start3A_69 = arith.constant 0 : i32
      %dma_start3A_70 = tpu.memref_slice %arg6[%dma_start3A_68, %dma_start3A_69] : memref<10000x128xf32, #tpu.memory_space<vmem_shared>> -> memref<10000x128xf32, #tpu.memory_space<vmem_shared>>
      tpu.enqueue_indirect_dma source(%dma_start3A_70 : memref<10000x128xf32, #tpu.memory_space<vmem_shared>>) target(%arg10 : memref<32x128xf32, #tpu.memory_space<vmem>>) offsets(%dma_start3A_67 : memref<32xi32, #tpu.memory_space<vmem>>) semaphore(%arg12 : memref<!tpu.dma_semaphore, #tpu.memory_space<semaphore_mem>>)
      %get3A = arith.constant 0 : i32
      %get3A_71 = arith.index_cast %get3A : i32 to index
      %get3A_72 = arith.constant 0 : index
      %get3A_73 = tpu.vector_load %arg9[%get3A_71, %get3A_72] {strides = array<i32>} : memref<8x32xi32, #tpu.memory_space<vmem>>, vector<1x16xi32>,
      %get3A_74 = vector.shape_cast %get3A_73 : vector<1x16xi32> to vector<16xi32>
      %sub3A = vector.broadcast %mul3A_23 : i32 to vector<16xi32>
      %sub3A_75 = arith.subi %get3A_74, %sub3A : vector<16xi32>
      %ge3A = arith.constant 0 : i32
      %ge3A_76 = vector.broadcast %ge3A : i32 to vector<16xi32>
      %ge3A_77 = arith.cmpi sge, %sub3A_75, %ge3A_76 : vector<16xi32>
      %lt3A_78 = arith.constant 5008 : i32
      %lt3A_79 = vector.broadcast %lt3A_78 : i32 to vector<16xi32>
      %lt3A_80 = arith.cmpi slt, %sub3A_75, %lt3A_79 : vector<16xi32>
      %and3A = arith.andi %ge3A_77, %lt3A_80 : vector<16xi1>
      %and3A_81 = arith.constant 31 : i32
      %and3A_82 = vector.broadcast %and3A_81 : i32 to vector<16xi32>
      %and3A_83 = arith.andi %get3A_74, %and3A_82 : vector<16xi32>
      %add3A_84 = arith.constant 5008 : i32
      %add3A_85 = vector.broadcast %add3A_84 : i32 to vector<16xi32>
      %add3A_86 = arith.addi %add3A_85, %and3A_83 : vector<16xi32>
      %select_n3A = arith.select %and3A, %sub3A_75, %add3A_86 : vector<16xi1>, vector<16xi32>
      %swap3A = arith.constant 0 : i32
      %swap3A_87 = arith.index_cast %swap3A : i32 to index
      %swap3A_88 = arith.constant 0 : index
      %swap3A_89 = tpu.vector_load %arg9[%swap3A_87, %swap3A_88] {strides = array<i32>} : memref<8x32xi32, #tpu.memory_space<vmem>>, vector<1x16xi32>,
      %swap3A_90 = vector.shape_cast %swap3A_89 : vector<1x16xi32> to vector<16xi32>
      %swap3A_91 = vector.shape_cast %select_n3A : vector<16xi32> to vector<1x16xi32>
      tpu.vector_store %arg9[%swap3A_87, %swap3A_88], %swap3A_91 {strides = array<i32>} : memref<8x32xi32, #tpu.memory_space<vmem>>, vector<1x16xi32>,
      %get3A_92 = arith.constant 0 : i32
      %get3A_93 = arith.index_cast %get3A_92 : i32 to index
      %get3A_94 = arith.constant 16 : index
      %get3A_95 = tpu.vector_load %arg9[%get3A_93, %get3A_94] {strides = array<i32>} : memref<8x32xi32, #tpu.memory_space<vmem>>, vector<1x16xi32>,
      %get3A_96 = vector.shape_cast %get3A_95 : vector<1x16xi32> to vector<16xi32>
      %sub3A_97 = vector.broadcast %mul3A_23 : i32 to vector<16xi32>
      %sub3A_98 = arith.subi %get3A_96, %sub3A_97 : vector<16xi32>
      %ge3A_99 = arith.constant 0 : i32
      %ge3A_100 = vector.broadcast %ge3A_99 : i32 to vector<16xi32>
      %ge3A_101 = arith.cmpi sge, %sub3A_98, %ge3A_100 : vector<16xi32>
      %lt3A_102 = arith.constant 5008 : i32
      %lt3A_103 = vector.broadcast %lt3A_102 : i32 to vector<16xi32>
      %lt3A_104 = arith.cmpi slt, %sub3A_98, %lt3A_103 : vector<16xi32>
      %and3A_105 = arith.andi %ge3A_101, %lt3A_104 : vector<16xi1>
      %and3A_106 = arith.constant 31 : i32
      %and3A_107 = vector.broadcast %and3A_106 : i32 to vector<16xi32>
      %and3A_108 = arith.andi %get3A_96, %and3A_107 : vector<16xi32>
      %add3A_109 = arith.constant 5008 : i32
      %add3A_110 = vector.broadcast %add3A_109 : i32 to vector<16xi32>
      %add3A_111 = arith.addi %add3A_110, %and3A_108 : vector<16xi32>
      %select_n3A_112 = arith.select %and3A_105, %sub3A_98, %add3A_111 : vector<16xi1>, vector<16xi32>
      %swap3A_113 = arith.constant 0 : i32
      %swap3A_114 = arith.index_cast %swap3A_113 : i32 to index
      %swap3A_115 = arith.constant 16 : index
      %swap3A_116 = tpu.vector_load %arg9[%swap3A_114, %swap3A_115] {strides = array<i32>} : memref<8x32xi32, #tpu.memory_space<vmem>>, vector<1x16xi32>,
      %swap3A_117 = vector.shape_cast %swap3A_116 : vector<1x16xi32> to vector<16xi32>
      %swap3A_118 = vector.shape_cast %select_n3A_112 : vector<16xi32> to vector<1x16xi32>
      tpu.vector_store %arg9[%swap3A_114, %swap3A_115], %swap3A_118 {strides = array<i32>} : memref<8x32xi32, #tpu.memory_space<vmem>>, vector<1x16xi32>,
      %get3A_119 = arith.constant 1 : i32
      %get3A_120 = arith.index_cast %get3A_119 : i32 to index
      %get3A_121 = arith.constant 0 : index
      %get3A_122 = tpu.vector_load %arg9[%get3A_120, %get3A_121] {strides = array<i32>} : memref<8x32xi32, #tpu.memory_space<vmem>>, vector<1x16xi32>,
      %get3A_123 = vector.shape_cast %get3A_122 : vector<1x16xi32> to vector<16xi32>
      %sub3A_124 = vector.broadcast %mul3A_23 : i32 to vector<16xi32>
      %sub3A_125 = arith.subi %get3A_123, %sub3A_124 : vector<16xi32>
      %ge3A_126 = arith.constant 0 : i32
      %ge3A_127 = vector.broadcast %ge3A_126 : i32 to vector<16xi32>
      %ge3A_128 = arith.cmpi sge, %sub3A_125, %ge3A_127 : vector<16xi32>
      %lt3A_129 = arith.constant 5008 : i32
      %lt3A_130 = vector.broadcast %lt3A_129 : i32 to vector<16xi32>
      %lt3A_131 = arith.cmpi slt, %sub3A_125, %lt3A_130 : vector<16xi32>
      %and3A_132 = arith.andi %ge3A_128, %lt3A_131 : vector<16xi1>
      %and3A_133 = arith.constant 31 : i32
      %and3A_134 = vector.broadcast %and3A_133 : i32 to vector<16xi32>
      %and3A_135 = arith.andi %get3A_123, %and3A_134 : vector<16xi32>
      %add3A_136 = arith.constant 5008 : i32
      %add3A_137 = vector.broadcast %add3A_136 : i32 to vector<16xi32>
      %add3A_138 = arith.addi %add3A_137, %and3A_135 : vector<16xi32>
      %select_n3A_139 = arith.select %and3A_132, %sub3A_125, %add3A_138 : vector<16xi1>, vector<16xi32>
      %swap3A_140 = arith.constant 1 : i32
      %swap3A_141 = arith.index_cast %swap3A_140 : i32 to index
      %swap3A_142 = arith.constant 0 : index
      %swap3A_143 = tpu.vector_load %arg9[%swap3A_141, %swap3A_142] {strides = array<i32>} : memref<8x32xi32, #tpu.memory_space<vmem>>, vector<1x16xi32>,
      %swap3A_144 = vector.shape_cast %swap3A_143 : vector<1x16xi32> to vector<16xi32>
      %swap3A_145 = vector.shape_cast %select_n3A_139 : vector<16xi32> to vector<1x16xi32>
      tpu.vector_store %arg9[%swap3A_141, %swap3A_142], %swap3A_145 {strides = array<i32>} : memref<8x32xi32, #tpu.memory_space<vmem>>, vector<1x16xi32>,
      %get3A_146 = arith.constant 1 : i32
      %get3A_147 = arith.index_cast %get3A_146 : i32 to index
      %get3A_148 = arith.constant 16 : index
      %get3A_149 = tpu.vector_load %arg9[%get3A_147, %get3A_148] {strides = array<i32>} : memref<8x32xi32, #tpu.memory_space<vmem>>, vector<1x16xi32>,
      %get3A_150 = vector.shape_cast %get3A_149 : vector<1x16xi32> to vector<16xi32>
      %sub3A_151 = vector.broadcast %mul3A_23 : i32 to vector<16xi32>
      %sub3A_152 = arith.subi %get3A_150, %sub3A_151 : vector<16xi32>
      %ge3A_153 = arith.constant 0 : i32
      %ge3A_154 = vector.broadcast %ge3A_153 : i32 to vector<16xi32>
      %ge3A_155 = arith.cmpi sge, %sub3A_152, %ge3A_154 : vector<16xi32>
      %lt3A_156 = arith.constant 5008 : i32
      %lt3A_157 = vector.broadcast %lt3A_156 : i32 to vector<16xi32>
      %lt3A_158 = arith.cmpi slt, %sub3A_152, %lt3A_157 : vector<16xi32>
      %and3A_159 = arith.andi %ge3A_155, %lt3A_158 : vector<16xi1>
      %and3A_160 = arith.constant 31 : i32
      %and3A_161 = vector.broadcast %and3A_160 : i32 to vector<16xi32>
      %and3A_162 = arith.andi %get3A_150, %and3A_161 : vector<16xi32>
      %add3A_163 = arith.constant 5008 : i32
      %add3A_164 = vector.broadcast %add3A_163 : i32 to vector<16xi32>
      %add3A_165 = arith.addi %add3A_164, %and3A_162 : vector<16xi32>
      %select_n3A_166 = arith.select %and3A_159, %sub3A_152, %add3A_165 : vector<16xi1>, vector<16xi32>
      %swap3A_167 = arith.constant 1 : i32
      %swap3A_168 = arith.index_cast %swap3A_167 : i32 to index
      %swap3A_169 = arith.constant 16 : index
      %swap3A_170 = tpu.vector_load %arg9[%swap3A_168, %swap3A_169] {strides = array<i32>} : memref<8x32xi32, #tpu.memory_space<vmem>>, vector<1x16xi32>,
      %swap3A_171 = vector.shape_cast %swap3A_170 : vector<1x16xi32> to vector<16xi32>
      %swap3A_172 = vector.shape_cast %select_n3A_166 : vector<16xi32> to vector<1x16xi32>
      tpu.vector_store %arg9[%swap3A_168, %swap3A_169], %swap3A_172 {strides = array<i32>} : memref<8x32xi32, #tpu.memory_space<vmem>>, vector<1x16xi32>,
      %get3A_173 = arith.constant 2 : i32
      %get3A_174 = arith.index_cast %get3A_173 : i32 to index
      %get3A_175 = arith.constant 0 : index
      %get3A_176 = tpu.vector_load %arg9[%get3A_174, %get3A_175] {strides = array<i32>} : memref<8x32xi32, #tpu.memory_space<vmem>>, vector<1x16xi32>,
      %get3A_177 = vector.shape_cast %get3A_176 : vector<1x16xi32> to vector<16xi32>
      %sub3A_178 = vector.broadcast %mul3A_23 : i32 to vector<16xi32>
      %sub3A_179 = arith.subi %get3A_177, %sub3A_178 : vector<16xi32>
      %ge3A_180 = arith.constant 0 : i32
      %ge3A_181 = vector.broadcast %ge3A_180 : i32 to vector<16xi32>
      %ge3A_182 = arith.cmpi sge, %sub3A_179, %ge3A_181 : vector<16xi32>
      %lt3A_183 = arith.constant 5008 : i32
      %lt3A_184 = vector.broadcast %lt3A_183 : i32 to vector<16xi32>
      %lt3A_185 = arith.cmpi slt, %sub3A_179, %lt3A_184 : vector<16xi32>
      %and3A_186 = arith.andi %ge3A_182, %lt3A_185 : vector<16xi1>
      %and3A_187 = arith.constant 31 : i32
      %and3A_188 = vector.broadcast %and3A_187 : i32 to vector<16xi32>
      %and3A_189 = arith.andi %get3A_177, %and3A_188 : vector<16xi32>
      %add3A_190 = arith.constant 5008 : i32
      %add3A_191 = vector.broadcast %add3A_190 : i32 to vector<16xi32>
      %add3A_192 = arith.addi %add3A_191, %and3A_189 : vector<16xi32>
      %select_n3A_193 = arith.select %and3A_186, %sub3A_179, %add3A_192 : vector<16xi1>, vector<16xi32>
      %swap3A_194 = arith.constant 2 : i32
      %swap3A_195 = arith.index_cast %swap3A_194 : i32 to index
      %swap3A_196 = arith.constant 0 : index
      %swap3A_197 = tpu.vector_load %arg9[%swap3A_195, %swap3A_196] {strides = array<i32>} : memref<8x32xi32, #tpu.memory_space<vmem>>, vector<1x16xi32>,
      %swap3A_198 = vector.shape_cast %swap3A_197 : vector<1x16xi32> to vector<16xi32>
      %swap3A_199 = vector.shape_cast %select_n3A_193 : vector<16xi32> to vector<1x16xi32>
      tpu.vector_store %arg9[%swap3A_195, %swap3A_196], %swap3A_199 {strides = array<i32>} : memref<8x32xi32, #tpu.memory_space<vmem>>, vector<1x16xi32>,
      %get3A_200 = arith.constant 2 : i32
      %get3A_201 = arith.index_cast %get3A_200 : i32 to index
      %get3A_202 = arith.constant 16 : index
      %get3A_203 = tpu.vector_load %arg9[%get3A_201, %get3A_202] {strides = array<i32>} : memref<8x32xi32, #tpu.memory_space<vmem>>, vector<1x16xi32>,
      %get3A_204 = vector.shape_cast %get3A_203 : vector<1x16xi32> to vector<16xi32>
      %sub3A_205 = vector.broadcast %mul3A_23 : i32 to vector<16xi32>
      %sub3A_206 = arith.subi %get3A_204, %sub3A_205 : vector<16xi32>
      %ge3A_207 = arith.constant 0 : i32
      %ge3A_208 = vector.broadcast %ge3A_207 : i32 to vector<16xi32>
      %ge3A_209 = arith.cmpi sge, %sub3A_206, %ge3A_208 : vector<16xi32>
      %lt3A_210 = arith.constant 5008 : i32
      %lt3A_211 = vector.broadcast %lt3A_210 : i32 to vector<16xi32>
      %lt3A_212 = arith.cmpi slt, %sub3A_206, %lt3A_211 : vector<16xi32>
      %and3A_213 = arith.andi %ge3A_209, %lt3A_212 : vector<16xi1>
      %and3A_214 = arith.constant 31 : i32
      %and3A_215 = vector.broadcast %and3A_214 : i32 to vector<16xi32>
      %and3A_216 = arith.andi %get3A_204, %and3A_215 : vector<16xi32>
      %add3A_217 = arith.constant 5008 : i32
      %add3A_218 = vector.broadcast %add3A_217 : i32 to vector<16xi32>
      %add3A_219 = arith.addi %add3A_218, %and3A_216 : vector<16xi32>
      %select_n3A_220 = arith.select %and3A_213, %sub3A_206, %add3A_219 : vector<16xi1>, vector<16xi32>
      %swap3A_221 = arith.constant 2 : i32
      %swap3A_222 = arith.index_cast %swap3A_221 : i32 to index
      %swap3A_223 = arith.constant 16 : index
      %swap3A_224 = tpu.vector_load %arg9[%swap3A_222, %swap3A_223] {strides = array<i32>} : memref<8x32xi32, #tpu.memory_space<vmem>>, vector<1x16xi32>,
      %swap3A_225 = vector.shape_cast %swap3A_224 : vector<1x16xi32> to vector<16xi32>
      %swap3A_226 = vector.shape_cast %select_n3A_220 : vector<16xi32> to vector<1x16xi32>
      tpu.vector_store %arg9[%swap3A_222, %swap3A_223], %swap3A_226 {strides = array<i32>} : memref<8x32xi32, #tpu.memory_space<vmem>>, vector<1x16xi32>,
      %get3A_227 = arith.constant 3 : i32
      %get3A_228 = arith.index_cast %get3A_227 : i32 to index
      %get3A_229 = arith.constant 0 : index
      %get3A_230 = tpu.vector_load %arg9[%get3A_228, %get3A_229] {strides = array<i32>} : memref<8x32xi32, #tpu.memory_space<vmem>>, vector<1x16xi32>,
      %get3A_231 = vector.shape_cast %get3A_230 : vector<1x16xi32> to vector<16xi32>
      %sub3A_232 = vector.broadcast %mul3A_23 : i32 to vector<16xi32>
      %sub3A_233 = arith.subi %get3A_231, %sub3A_232 : vector<16xi32>
      %ge3A_234 = arith.constant 0 : i32
      %ge3A_235 = vector.broadcast %ge3A_234 : i32 to vector<16xi32>
      %ge3A_236 = arith.cmpi sge, %sub3A_233, %ge3A_235 : vector<16xi32>
      %lt3A_237 = arith.constant 5008 : i32
      %lt3A_238 = vector.broadcast %lt3A_237 : i32 to vector<16xi32>
      %lt3A_239 = arith.cmpi slt, %sub3A_233, %lt3A_238 : vector<16xi32>
      %and3A_240 = arith.andi %ge3A_236, %lt3A_239 : vector<16xi1>
      %and3A_241 = arith.constant 31 : i32
      %and3A_242 = vector.broadcast %and3A_241 : i32 to vector<16xi32>
      %and3A_243 = arith.andi %get3A_231, %and3A_242 : vector<16xi32>
      %add3A_244 = arith.constant 5008 : i32
      %add3A_245 = vector.broadcast %add3A_244 : i32 to vector<16xi32>
      %add3A_246 = arith.addi %add3A_245, %and3A_243 : vector<16xi32>
      %select_n3A_247 = arith.select %and3A_240, %sub3A_233, %add3A_246 : vector<16xi1>, vector<16xi32>
      %swap3A_248 = arith.constant 3 : i32
      %swap3A_249 = arith.index_cast %swap3A_248 : i32 to index
      %swap3A_250 = arith.constant 0 : index
      %swap3A_251 = tpu.vector_load %arg9[%swap3A_249, %swap3A_250] {strides = array<i32>} : memref<8x32xi32, #tpu.memory_space<vmem>>, vector<1x16xi32>,
      %swap3A_252 = vector.shape_cast %swap3A_251 : vector<1x16xi32> to vector<16xi32>
      %swap3A_253 = vector.shape_cast %select_n3A_247 : vector<16xi32> to vector<1x16xi32>
      tpu.vector_store %arg9[%swap3A_249, %swap3A_250], %swap3A_253 {strides = array<i32>} : memref<8x32xi32, #tpu.memory_space<vmem>>, vector<1x16xi32>,
      %get3A_254 = arith.constant 3 : i32
      %get3A_255 = arith.index_cast %get3A_254 : i32 to index
      %get3A_256 = arith.constant 16 : index
      %get3A_257 = tpu.vector_load %arg9[%get3A_255, %get3A_256] {strides = array<i32>} : memref<8x32xi32, #tpu.memory_space<vmem>>, vector<1x16xi32>,
      %get3A_258 = vector.shape_cast %get3A_257 : vector<1x16xi32> to vector<16xi32>
      %sub3A_259 = vector.broadcast %mul3A_23 : i32 to vector<16xi32>
      %sub3A_260 = arith.subi %get3A_258, %sub3A_259 : vector<16xi32>
      %ge3A_261 = arith.constant 0 : i32
      %ge3A_262 = vector.broadcast %ge3A_261 : i32 to vector<16xi32>
      %ge3A_263 = arith.cmpi sge, %sub3A_260, %ge3A_262 : vector<16xi32>
      %lt3A_264 = arith.constant 5008 : i32
      %lt3A_265 = vector.broadcast %lt3A_264 : i32 to vector<16xi32>
      %lt3A_266 = arith.cmpi slt, %sub3A_260, %lt3A_265 : vector<16xi32>
      %and3A_267 = arith.andi %ge3A_263, %lt3A_266 : vector<16xi1>
      %and3A_268 = arith.constant 31 : i32
      %and3A_269 = vector.broadcast %and3A_268 : i32 to vector<16xi32>
      %and3A_270 = arith.andi %get3A_258, %and3A_269 : vector<16xi32>
      %add3A_271 = arith.constant 5008 : i32
      %add3A_272 = vector.broadcast %add3A_271 : i32 to vector<16xi32>
      %add3A_273 = arith.addi %add3A_272, %and3A_270 : vector<16xi32>
      %select_n3A_274 = arith.select %and3A_267, %sub3A_260, %add3A_273 : vector<16xi1>, vector<16xi32>
      %swap3A_275 = arith.constant 3 : i32
      %swap3A_276 = arith.index_cast %swap3A_275 : i32 to index
      %swap3A_277 = arith.constant 16 : index
      %swap3A_278 = tpu.vector_load %arg9[%swap3A_276, %swap3A_277] {strides = array<i32>} : memref<8x32xi32, #tpu.memory_space<vmem>>, vector<1x16xi32>,
      %swap3A_279 = vector.shape_cast %swap3A_278 : vector<1x16xi32> to vector<16xi32>
      %swap3A_280 = vector.shape_cast %select_n3A_274 : vector<16xi32> to vector<1x16xi32>
      tpu.vector_store %arg9[%swap3A_276, %swap3A_277], %swap3A_280 {strides = array<i32>} : memref<8x32xi32, #tpu.memory_space<vmem>>, vector<1x16xi32>,
      %get3A_281 = arith.constant 4 : i32
      %get3A_282 = arith.index_cast %get3A_281 : i32 to index
      %get3A_283 = arith.constant 0 : index
      %get3A_284 = tpu.vector_load %arg9[%get3A_282, %get3A_283] {strides = array<i32>} : memref<8x32xi32, #tpu.memory_space<vmem>>, vector<1x16xi32>,
      %get3A_285 = vector.shape_cast %get3A_284 : vector<1x16xi32> to vector<16xi32>
      %sub3A_286 = vector.broadcast %mul3A_23 : i32 to vector<16xi32>
      %sub3A_287 = arith.subi %get3A_285, %sub3A_286 : vector<16xi32>
      %ge3A_288 = arith.constant 0 : i32
      %ge3A_289 = vector.broadcast %ge3A_288 : i32 to vector<16xi32>
      %ge3A_290 = arith.cmpi sge, %sub3A_287, %ge3A_289 : vector<16xi32>
      %lt3A_291 = arith.constant 5008 : i32
      %lt3A_292 = vector.broadcast %lt3A_291 : i32 to vector<16xi32>
      %lt3A_293 = arith.cmpi slt, %sub3A_287, %lt3A_292 : vector<16xi32>
      %and3A_294 = arith.andi %ge3A_290, %lt3A_293 : vector<16xi1>
      %and3A_295 = arith.constant 31 : i32
      %and3A_296 = vector.broadcast %and3A_295 : i32 to vector<16xi32>
      %and3A_297 = arith.andi %get3A_285, %and3A_296 : vector<16xi32>
      %add3A_298 = arith.constant 5008 : i32
      %add3A_299 = vector.broadcast %add3A_298 : i32 to vector<16xi32>
      %add3A_300 = arith.addi %add3A_299, %and3A_297 : vector<16xi32>
      %select_n3A_301 = arith.select %and3A_294, %sub3A_287, %add3A_300 : vector<16xi1>, vector<16xi32>
      %swap3A_302 = arith.constant 4 : i32
      %swap3A_303 = arith.index_cast %swap3A_302 : i32 to index
      %swap3A_304 = arith.constant 0 : index
      %swap3A_305 = tpu.vector_load %arg9[%swap3A_303, %swap3A_304] {strides = array<i32>} : memref<8x32xi32, #tpu.memory_space<vmem>>, vector<1x16xi32>,
      %swap3A_306 = vector.shape_cast %swap3A_305 : vector<1x16xi32> to vector<16xi32>
      %swap3A_307 = vector.shape_cast %select_n3A_301 : vector<16xi32> to vector<1x16xi32>
      tpu.vector_store %arg9[%swap3A_303, %swap3A_304], %swap3A_307 {strides = array<i32>} : memref<8x32xi32, #tpu.memory_space<vmem>>, vector<1x16xi32>,
      %get3A_308 = arith.constant 4 : i32
      %get3A_309 = arith.index_cast %get3A_308 : i32 to index
      %get3A_310 = arith.constant 16 : index
      %get3A_311 = tpu.vector_load %arg9[%get3A_309, %get3A_310] {strides = array<i32>} : memref<8x32xi32, #tpu.memory_space<vmem>>, vector<1x16xi32>,
      %get3A_312 = vector.shape_cast %get3A_311 : vector<1x16xi32> to vector<16xi32>
      %sub3A_313 = vector.broadcast %mul3A_23 : i32 to vector<16xi32>
      %sub3A_314 = arith.subi %get3A_312, %sub3A_313 : vector<16xi32>
      %ge3A_315 = arith.constant 0 : i32
      %ge3A_316 = vector.broadcast %ge3A_315 : i32 to vector<16xi32>
      %ge3A_317 = arith.cmpi sge, %sub3A_314, %ge3A_316 : vector<16xi32>
      %lt3A_318 = arith.constant 5008 : i32
      %lt3A_319 = vector.broadcast %lt3A_318 : i32 to vector<16xi32>
      %lt3A_320 = arith.cmpi slt, %sub3A_314, %lt3A_319 : vector<16xi32>
      %and3A_321 = arith.andi %ge3A_317, %lt3A_320 : vector<16xi1>
      %and3A_322 = arith.constant 31 : i32
      %and3A_323 = vector.broadcast %and3A_322 : i32 to vector<16xi32>
      %and3A_324 = arith.andi %get3A_312, %and3A_323 : vector<16xi32>
      %add3A_325 = arith.constant 5008 : i32
      %add3A_326 = vector.broadcast %add3A_325 : i32 to vector<16xi32>
      %add3A_327 = arith.addi %add3A_326, %and3A_324 : vector<16xi32>
      %select_n3A_328 = arith.select %and3A_321, %sub3A_314, %add3A_327 : vector<16xi1>, vector<16xi32>
      %swap3A_329 = arith.constant 4 : i32
      %swap3A_330 = arith.index_cast %swap3A_329 : i32 to index
      %swap3A_331 = arith.constant 16 : index
      %swap3A_332 = tpu.vector_load %arg9[%swap3A_330, %swap3A_331] {strides = array<i32>} : memref<8x32xi32, #tpu.memory_space<vmem>>, vector<1x16xi32>,
      %swap3A_333 = vector.shape_cast %swap3A_332 : vector<1x16xi32> to vector<16xi32>
      %swap3A_334 = vector.shape_cast %select_n3A_328 : vector<16xi32> to vector<1x16xi32>
      tpu.vector_store %arg9[%swap3A_330, %swap3A_331], %swap3A_334 {strides = array<i32>} : memref<8x32xi32, #tpu.memory_space<vmem>>, vector<1x16xi32>,
      %get3A_335 = arith.constant 5 : i32
      %get3A_336 = arith.index_cast %get3A_335 : i32 to index
      %get3A_337 = arith.constant 0 : index
      %get3A_338 = tpu.vector_load %arg9[%get3A_336, %get3A_337] {strides = array<i32>} : memref<8x32xi32, #tpu.memory_space<vmem>>, vector<1x16xi32>,
      %get3A_339 = vector.shape_cast %get3A_338 : vector<1x16xi32> to vector<16xi32>
      %sub3A_340 = vector.broadcast %mul3A_23 : i32 to vector<16xi32>
      %sub3A_341 = arith.subi %get3A_339, %sub3A_340 : vector<16xi32>
      %ge3A_342 = arith.constant 0 : i32
      %ge3A_343 = vector.broadcast %ge3A_342 : i32 to vector<16xi32>
      %ge3A_344 = arith.cmpi sge, %sub3A_341, %ge3A_343 : vector<16xi32>
      %lt3A_345 = arith.constant 5008 : i32
      %lt3A_346 = vector.broadcast %lt3A_345 : i32 to vector<16xi32>
      %lt3A_347 = arith.cmpi slt, %sub3A_341, %lt3A_346 : vector<16xi32>
      %and3A_348 = arith.andi %ge3A_344, %lt3A_347 : vector<16xi1>
      %and3A_349 = arith.constant 31 : i32
      %and3A_350 = vector.broadcast %and3A_349 : i32 to vector<16xi32>
      %and3A_351 = arith.andi %get3A_339, %and3A_350 : vector<16xi32>
      %add3A_352 = arith.constant 5008 : i32
      %add3A_353 = vector.broadcast %add3A_352 : i32 to vector<16xi32>
      %add3A_354 = arith.addi %add3A_353, %and3A_351 : vector<16xi32>
      %select_n3A_355 = arith.select %and3A_348, %sub3A_341, %add3A_354 : vector<16xi1>, vector<16xi32>
      %swap3A_356 = arith.constant 5 : i32
      %swap3A_357 = arith.index_cast %swap3A_356 : i32 to index
      %swap3A_358 = arith.constant 0 : index
      %swap3A_359 = tpu.vector_load %arg9[%swap3A_357, %swap3A_358] {strides = array<i32>} : memref<8x32xi32, #tpu.memory_space<vmem>>, vector<1x16xi32>,
      %swap3A_360 = vector.shape_cast %swap3A_359 : vector<1x16xi32> to vector<16xi32>
      %swap3A_361 = vector.shape_cast %select_n3A_355 : vector<16xi32> to vector<1x16xi32>
      tpu.vector_store %arg9[%swap3A_357, %swap3A_358], %swap3A_361 {strides = array<i32>} : memref<8x32xi32, #tpu.memory_space<vmem>>, vector<1x16xi32>,
      %get3A_362 = arith.constant 5 : i32
      %get3A_363 = arith.index_cast %get3A_362 : i32 to index
      %get3A_364 = arith.constant 16 : index
      %get3A_365 = tpu.vector_load %arg9[%get3A_363, %get3A_364] {strides = array<i32>} : memref<8x32xi32, #tpu.memory_space<vmem>>, vector<1x16xi32>,
      %get3A_366 = vector.shape_cast %get3A_365 : vector<1x16xi32> to vector<16xi32>
      %sub3A_367 = vector.broadcast %mul3A_23 : i32 to vector<16xi32>
      %sub3A_368 = arith.subi %get3A_366, %sub3A_367 : vector<16xi32>
      %ge3A_369 = arith.constant 0 : i32
      %ge3A_370 = vector.broadcast %ge3A_369 : i32 to vector<16xi32>
      %ge3A_371 = arith.cmpi sge, %sub3A_368, %ge3A_370 : vector<16xi32>
      %lt3A_372 = arith.constant 5008 : i32
      %lt3A_373 = vector.broadcast %lt3A_372 : i32 to vector<16xi32>
      %lt3A_374 = arith.cmpi slt, %sub3A_368, %lt3A_373 : vector<16xi32>
      %and3A_375 = arith.andi %ge3A_371, %lt3A_374 : vector<16xi1>
      %and3A_376 = arith.constant 31 : i32
      %and3A_377 = vector.broadcast %and3A_376 : i32 to vector<16xi32>
      %and3A_378 = arith.andi %get3A_366, %and3A_377 : vector<16xi32>
      %add3A_379 = arith.constant 5008 : i32
      %add3A_380 = vector.broadcast %add3A_379 : i32 to vector<16xi32>
      %add3A_381 = arith.addi %add3A_380, %and3A_378 : vector<16xi32>
      %select_n3A_382 = arith.select %and3A_375, %sub3A_368, %add3A_381 : vector<16xi1>, vector<16xi32>
      %swap3A_383 = arith.constant 5 : i32
      %swap3A_384 = arith.index_cast %swap3A_383 : i32 to index
      %swap3A_385 = arith.constant 16 : index
      %swap3A_386 = tpu.vector_load %arg9[%swap3A_384, %swap3A_385] {strides = array<i32>} : memref<8x32xi32, #tpu.memory_space<vmem>>, vector<1x16xi32>,
      %swap3A_387 = vector.shape_cast %swap3A_386 : vector<1x16xi32> to vector<16xi32>
      %swap3A_388 = vector.shape_cast %select_n3A_382 : vector<16xi32> to vector<1x16xi32>
      tpu.vector_store %arg9[%swap3A_384, %swap3A_385], %swap3A_388 {strides = array<i32>} : memref<8x32xi32, #tpu.memory_space<vmem>>, vector<1x16xi32>,
      %get3A_389 = arith.constant 6 : i32
      %get3A_390 = arith.index_cast %get3A_389 : i32 to index
      %get3A_391 = arith.constant 0 : index
      %get3A_392 = tpu.vector_load %arg9[%get3A_390, %get3A_391] {strides = array<i32>} : memref<8x32xi32, #tpu.memory_space<vmem>>, vector<1x16xi32>,
      %get3A_393 = vector.shape_cast %get3A_392 : vector<1x16xi32> to vector<16xi32>
      %sub3A_394 = vector.broadcast %mul3A_23 : i32 to vector<16xi32>
      %sub3A_395 = arith.subi %get3A_393, %sub3A_394 : vector<16xi32>
      %ge3A_396 = arith.constant 0 : i32
      %ge3A_397 = vector.broadcast %ge3A_396 : i32 to vector<16xi32>
      %ge3A_398 = arith.cmpi sge, %sub3A_395, %ge3A_397 : vector<16xi32>
      %lt3A_399 = arith.constant 5008 : i32
      %lt3A_400 = vector.broadcast %lt3A_399 : i32 to vector<16xi32>
      %lt3A_401 = arith.cmpi slt, %sub3A_395, %lt3A_400 : vector<16xi32>
      %and3A_402 = arith.andi %ge3A_398, %lt3A_401 : vector<16xi1>
      %and3A_403 = arith.constant 31 : i32
      %and3A_404 = vector.broadcast %and3A_403 : i32 to vector<16xi32>
      %and3A_405 = arith.andi %get3A_393, %and3A_404 : vector<16xi32>
      %add3A_406 = arith.constant 5008 : i32
      %add3A_407 = vector.broadcast %add3A_406 : i32 to vector<16xi32>
      %add3A_408 = arith.addi %add3A_407, %and3A_405 : vector<16xi32>
      %select_n3A_409 = arith.select %and3A_402, %sub3A_395, %add3A_408 : vector<16xi1>, vector<16xi32>
      %swap3A_410 = arith.constant 6 : i32
      %swap3A_411 = arith.index_cast %swap3A_410 : i32 to index
      %swap3A_412 = arith.constant 0 : index
      %swap3A_413 = tpu.vector_load %arg9[%swap3A_411, %swap3A_412] {strides = array<i32>} : memref<8x32xi32, #tpu.memory_space<vmem>>, vector<1x16xi32>,
      %swap3A_414 = vector.shape_cast %swap3A_413 : vector<1x16xi32> to vector<16xi32>
      %swap3A_415 = vector.shape_cast %select_n3A_409 : vector<16xi32> to vector<1x16xi32>
      tpu.vector_store %arg9[%swap3A_411, %swap3A_412], %swap3A_415 {strides = array<i32>} : memref<8x32xi32, #tpu.memory_space<vmem>>, vector<1x16xi32>,
      %get3A_416 = arith.constant 6 : i32
      %get3A_417 = arith.index_cast %get3A_416 : i32 to index
      %get3A_418 = arith.constant 16 : index
      %get3A_419 = tpu.vector_load %arg9[%get3A_417, %get3A_418] {strides = array<i32>} : memref<8x32xi32, #tpu.memory_space<vmem>>, vector<1x16xi32>,
      %get3A_420 = vector.shape_cast %get3A_419 : vector<1x16xi32> to vector<16xi32>
      %sub3A_421 = vector.broadcast %mul3A_23 : i32 to vector<16xi32>
      %sub3A_422 = arith.subi %get3A_420, %sub3A_421 : vector<16xi32>
      %ge3A_423 = arith.constant 0 : i32
      %ge3A_424 = vector.broadcast %ge3A_423 : i32 to vector<16xi32>
      %ge3A_425 = arith.cmpi sge, %sub3A_422, %ge3A_424 : vector<16xi32>
      %lt3A_426 = arith.constant 5008 : i32
      %lt3A_427 = vector.broadcast %lt3A_426 : i32 to vector<16xi32>
      %lt3A_428 = arith.cmpi slt, %sub3A_422, %lt3A_427 : vector<16xi32>
      %and3A_429 = arith.andi %ge3A_425, %lt3A_428 : vector<16xi1>
      %and3A_430 = arith.constant 31 : i32
      %and3A_431 = vector.broadcast %and3A_430 : i32 to vector<16xi32>
      %and3A_432 = arith.andi %get3A_420, %and3A_431 : vector<16xi32>
      %add3A_433 = arith.constant 5008 : i32
      %add3A_434 = vector.broadcast %add3A_433 : i32 to vector<16xi32>
      %add3A_435 = arith.addi %add3A_434, %and3A_432 : vector<16xi32>
      %select_n3A_436 = arith.select %and3A_429, %sub3A_422, %add3A_435 : vector<16xi1>, vector<16xi32>
      %swap3A_437 = arith.constant 6 : i32
      %swap3A_438 = arith.index_cast %swap3A_437 : i32 to index
      %swap3A_439 = arith.constant 16 : index
      %swap3A_440 = tpu.vector_load %arg9[%swap3A_438, %swap3A_439] {strides = array<i32>} : memref<8x32xi32, #tpu.memory_space<vmem>>, vector<1x16xi32>,
      %swap3A_441 = vector.shape_cast %swap3A_440 : vector<1x16xi32> to vector<16xi32>
      %swap3A_442 = vector.shape_cast %select_n3A_436 : vector<16xi32> to vector<1x16xi32>
      tpu.vector_store %arg9[%swap3A_438, %swap3A_439], %swap3A_442 {strides = array<i32>} : memref<8x32xi32, #tpu.memory_space<vmem>>, vector<1x16xi32>,
      %get3A_443 = arith.constant 7 : i32
      %get3A_444 = arith.index_cast %get3A_443 : i32 to index
      %get3A_445 = arith.constant 0 : index
      %get3A_446 = tpu.vector_load %arg9[%get3A_444, %get3A_445] {strides = array<i32>} : memref<8x32xi32, #tpu.memory_space<vmem>>, vector<1x16xi32>,
      %get3A_447 = vector.shape_cast %get3A_446 : vector<1x16xi32> to vector<16xi32>
      %sub3A_448 = vector.broadcast %mul3A_23 : i32 to vector<16xi32>
      %sub3A_449 = arith.subi %get3A_447, %sub3A_448 : vector<16xi32>
      %ge3A_450 = arith.constant 0 : i32
      %ge3A_451 = vector.broadcast %ge3A_450 : i32 to vector<16xi32>
      %ge3A_452 = arith.cmpi sge, %sub3A_449, %ge3A_451 : vector<16xi32>
      %lt3A_453 = arith.constant 5008 : i32
      %lt3A_454 = vector.broadcast %lt3A_453 : i32 to vector<16xi32>
      %lt3A_455 = arith.cmpi slt, %sub3A_449, %lt3A_454 : vector<16xi32>
      %and3A_456 = arith.andi %ge3A_452, %lt3A_455 : vector<16xi1>
      %and3A_457 = arith.constant 31 : i32
      %and3A_458 = vector.broadcast %and3A_457 : i32 to vector<16xi32>
      %and3A_459 = arith.andi %get3A_447, %and3A_458 : vector<16xi32>
      %add3A_460 = arith.constant 5008 : i32
      %add3A_461 = vector.broadcast %add3A_460 : i32 to vector<16xi32>
      %add3A_462 = arith.addi %add3A_461, %and3A_459 : vector<16xi32>
      %select_n3A_463 = arith.select %and3A_456, %sub3A_449, %add3A_462 : vector<16xi1>, vector<16xi32>
      %swap3A_464 = arith.constant 7 : i32
      %swap3A_465 = arith.index_cast %swap3A_464 : i32 to index
      %swap3A_466 = arith.constant 0 : index
      %swap3A_467 = tpu.vector_load %arg9[%swap3A_465, %swap3A_466] {strides = array<i32>} : memref<8x32xi32, #tpu.memory_space<vmem>>, vector<1x16xi32>,
      %swap3A_468 = vector.shape_cast %swap3A_467 : vector<1x16xi32> to vector<16xi32>
      %swap3A_469 = vector.shape_cast %select_n3A_463 : vector<16xi32> to vector<1x16xi32>
      tpu.vector_store %arg9[%swap3A_465, %swap3A_466], %swap3A_469 {strides = array<i32>} : memref<8x32xi32, #tpu.memory_space<vmem>>, vector<1x16xi32>,
      %get3A_470 = arith.constant 7 : i32
      %get3A_471 = arith.index_cast %get3A_470 : i32 to index
      %get3A_472 = arith.constant 16 : index
      %get3A_473 = tpu.vector_load %arg9[%get3A_471, %get3A_472] {strides = array<i32>} : memref<8x32xi32, #tpu.memory_space<vmem>>, vector<1x16xi32>,
      %get3A_474 = vector.shape_cast %get3A_473 : vector<1x16xi32> to vector<16xi32>
      %sub3A_475 = vector.broadcast %mul3A_23 : i32 to vector<16xi32>
      %sub3A_476 = arith.subi %get3A_474, %sub3A_475 : vector<16xi32>
      %ge3A_477 = arith.constant 0 : i32
      %ge3A_478 = vector.broadcast %ge3A_477 : i32 to vector<16xi32>
      %ge3A_479 = arith.cmpi sge, %sub3A_476, %ge3A_478 : vector<16xi32>
      %lt3A_480 = arith.constant 5008 : i32
      %lt3A_481 = vector.broadcast %lt3A_480 : i32 to vector<16xi32>
      %lt3A_482 = arith.cmpi slt, %sub3A_476, %lt3A_481 : vector<16xi32>
      %and3A_483 = arith.andi %ge3A_479, %lt3A_482 : vector<16xi1>
      %and3A_484 = arith.constant 31 : i32
      %and3A_485 = vector.broadcast %and3A_484 : i32 to vector<16xi32>
      %and3A_486 = arith.andi %get3A_474, %and3A_485 : vector<16xi32>
      %add3A_487 = arith.constant 5008 : i32
      %add3A_488 = vector.broadcast %add3A_487 : i32 to vector<16xi32>
      %add3A_489 = arith.addi %add3A_488, %and3A_486 : vector<16xi32>
      %select_n3A_490 = arith.select %and3A_483, %sub3A_476, %add3A_489 : vector<16xi1>, vector<16xi32>
      %swap3A_491 = arith.constant 7 : i32
      %swap3A_492 = arith.index_cast %swap3A_491 : i32 to index
      %swap3A_493 = arith.constant 16 : index
      %swap3A_494 = tpu.vector_load %arg9[%swap3A_492, %swap3A_493] {strides = array<i32>} : memref<8x32xi32, #tpu.memory_space<vmem>>, vector<1x16xi32>,
      %swap3A_495 = vector.shape_cast %swap3A_494 : vector<1x16xi32> to vector<16xi32>
      %swap3A_496 = vector.shape_cast %select_n3A_490 : vector<16xi32> to vector<1x16xi32>
      tpu.vector_store %arg9[%swap3A_492, %swap3A_493], %swap3A_496 {strides = array<i32>} : memref<8x32xi32, #tpu.memory_space<vmem>>, vector<1x16xi32>,
      %dma_wait3A_497 = arith.constant 0 : i32
      %dma_wait3A_498 = arith.constant 0 : i32
      %dma_wait3A_499 = tpu.memref_slice %arg8[%dma_wait3A_497, %dma_wait3A_498] : memref<8x32xi32, #tpu.memory_space<vmem>> -> memref<1x32xi32, #tpu.memory_space<vmem>>
      %dma_wait3A_500 = tpu.memref_squeeze %dma_wait3A_499 : memref<1x32xi32, #tpu.memory_space<vmem>> -> memref<32xi32, #tpu.memory_space<vmem>>
      %dma_wait3A_501 = arith.constant 0 : i32
      %dma_wait3A_502 = arith.constant 0 : i32
      %dma_wait3A_503 = tpu.memref_slice %arg6[%dma_wait3A_501, %dma_wait3A_502] : memref<10000x128xf32, #tpu.memory_space<vmem_shared>> -> memref<10000x128xf32, #tpu.memory_space<vmem_shared>>
      tpu.wait_indirect_dma semaphore(%arg12 : memref<!tpu.dma_semaphore, #tpu.memory_space<semaphore_mem>>) src(%dma_wait3A_503 : memref<10000x128xf32, #tpu.memory_space<vmem_shared>>) dst(%arg10 : memref<32x128xf32, #tpu.memory_space<vmem>>)
      %dma_start3A_504 = arith.constant 0 : i32
      %dma_start3A_505 = arith.constant 0 : i32
      %dma_start3A_506 = tpu.memref_slice %arg9[%dma_start3A_504, %dma_start3A_505] : memref<8x32xi32, #tpu.memory_space<vmem>> -> memref<1x32xi32, #tpu.memory_space<vmem>>
      %dma_start3A_507 = tpu.memref_squeeze %dma_start3A_506 : memref<1x32xi32, #tpu.memory_space<vmem>> -> memref<32xi32, #tpu.memory_space<vmem>>
      %dma_start3A_508 = arith.constant 0 : i32
      %dma_start3A_509 = arith.constant 0 : i32
      %dma_start3A_510 = tpu.memref_slice %arg7[%dma_start3A_508, %dma_start3A_509] : memref<5040x128xf32, #tpu.memory_space<vmem_shared>> -> memref<5040x128xf32, #tpu.memory_space<vmem_shared>>
      tpu.enqueue_indirect_dma source(%arg10 : memref<32x128xf32, #tpu.memory_space<vmem>>) target(%dma_start3A_510 : memref<5040x128xf32, #tpu.memory_space<vmem_shared>>) offsets(%dma_start3A_507 : memref<32xi32, #tpu.memory_space<vmem>>) semaphore(%arg15 : memref<!tpu.dma_semaphore, #tpu.memory_space<semaphore_mem>>) {add = true}
      %dma_start3A_511 = arith.constant 1 : i32
      %dma_start3A_512 = arith.constant 0 : i32
      %dma_start3A_513 = tpu.memref_slice %arg8[%dma_start3A_511, %dma_start3A_512] : memref<8x32xi32, #tpu.memory_space<vmem>> -> memref<1x32xi32, #tpu.memory_space<vmem>>
      %dma_start3A_514 = tpu.memref_squeeze %dma_start3A_513 : memref<1x32xi32, #tpu.memory_space<vmem>> -> memref<32xi32, #tpu.memory_space<vmem>>
      %dma_start3A_515 = arith.constant 0 : i32
      %dma_start3A_516 = arith.constant 0 : i32
      %dma_start3A_517 = tpu.memref_slice %arg6[%dma_start3A_515, %dma_start3A_516] : memref<10000x128xf32, #tpu.memory_space<vmem_shared>> -> memref<10000x128xf32, #tpu.memory_space<vmem_shared>>
      tpu.enqueue_indirect_dma source(%dma_start3A_517 : memref<10000x128xf32, #tpu.memory_space<vmem_shared>>) target(%arg11 : memref<32x128xf32, #tpu.memory_space<vmem>>) offsets(%dma_start3A_514 : memref<32xi32, #tpu.memory_space<vmem>>) semaphore(%arg13 : memref<!tpu.dma_semaphore, #tpu.memory_space<semaphore_mem>>)
      %dma_wait3A_518 = arith.constant 1 : i32
      %dma_wait3A_519 = arith.constant 0 : i32
      %dma_wait3A_520 = tpu.memref_slice %arg8[%dma_wait3A_518, %dma_wait3A_519] : memref<8x32xi32, #tpu.memory_space<vmem>> -> memref<1x32xi32, #tpu.memory_space<vmem>>
      %dma_wait3A_521 = tpu.memref_squeeze %dma_wait3A_520 : memref<1x32xi32, #tpu.memory_space<vmem>> -> memref<32xi32, #tpu.memory_space<vmem>>
      %dma_wait3A_522 = arith.constant 0 : i32
      %dma_wait3A_523 = arith.constant 0 : i32
      %dma_wait3A_524 = tpu.memref_slice %arg6[%dma_wait3A_522, %dma_wait3A_523] : memref<10000x128xf32, #tpu.memory_space<vmem_shared>> -> memref<10000x128xf32, #tpu.memory_space<vmem_shared>>
      tpu.wait_indirect_dma semaphore(%arg13 : memref<!tpu.dma_semaphore, #tpu.memory_space<semaphore_mem>>) src(%dma_wait3A_524 : memref<10000x128xf32, #tpu.memory_space<vmem_shared>>) dst(%arg11 : memref<32x128xf32, #tpu.memory_space<vmem>>)
      %dma_start3A_525 = arith.constant 1 : i32
      %dma_start3A_526 = arith.constant 0 : i32
      %dma_start3A_527 = tpu.memref_slice %arg9[%dma_start3A_525, %dma_start3A_526] : memref<8x32xi32, #tpu.memory_space<vmem>> -> memref<1x32xi32, #tpu.memory_space<vmem>>
      %dma_start3A_528 = tpu.memref_squeeze %dma_start3A_527 : memref<1x32xi32, #tpu.memory_space<vmem>> -> memref<32xi32, #tpu.memory_space<vmem>>
      %dma_start3A_529 = arith.constant 0 : i32
      %dma_start3A_530 = arith.constant 0 : i32
      %dma_start3A_531 = tpu.memref_slice %arg7[%dma_start3A_529, %dma_start3A_530] : memref<5040x128xf32, #tpu.memory_space<vmem_shared>> -> memref<5040x128xf32, #tpu.memory_space<vmem_shared>>
      tpu.enqueue_indirect_dma source(%arg11 : memref<32x128xf32, #tpu.memory_space<vmem>>) target(%dma_start3A_531 : memref<5040x128xf32, #tpu.memory_space<vmem_shared>>) offsets(%dma_start3A_528 : memref<32xi32, #tpu.memory_space<vmem>>) semaphore(%arg16 : memref<!tpu.dma_semaphore, #tpu.memory_space<semaphore_mem>>) {add = true}
      %dma_wait3A_532 = arith.constant 0 : i32
      %dma_wait3A_533 = arith.constant 0 : i32
      %dma_wait3A_534 = tpu.memref_slice %arg9[%dma_wait3A_532, %dma_wait3A_533] : memref<8x32xi32, #tpu.memory_space<vmem>> -> memref<1x32xi32, #tpu.memory_space<vmem>>
      %dma_wait3A_535 = tpu.memref_squeeze %dma_wait3A_534 : memref<1x32xi32, #tpu.memory_space<vmem>> -> memref<32xi32, #tpu.memory_space<vmem>>
      %dma_wait3A_536 = arith.constant 0 : i32
      %dma_wait3A_537 = arith.constant 0 : i32
      %dma_wait3A_538 = tpu.memref_slice %arg7[%dma_wait3A_536, %dma_wait3A_537] : memref<5040x128xf32, #tpu.memory_space<vmem_shared>> -> memref<5040x128xf32, #tpu.memory_space<vmem_shared>>
      tpu.wait_indirect_dma semaphore(%arg15 : memref<!tpu.dma_semaphore, #tpu.memory_space<semaphore_mem>>) src(%arg10 : memref<32x128xf32, #tpu.memory_space<vmem>>) dst(%dma_wait3A_538 : memref<5040x128xf32, #tpu.memory_space<vmem_shared>>)
      %dma_start3A_539 = arith.constant 2 : i32
      %dma_start3A_540 = arith.constant 0 : i32
      %dma_start3A_541 = tpu.memref_slice %arg8[%dma_start3A_539, %dma_start3A_540] : memref<8x32xi32, #tpu.memory_space<vmem>> -> memref<1x32xi32, #tpu.memory_space<vmem>>
      %dma_start3A_542 = tpu.memref_squeeze %dma_start3A_541 : memref<1x32xi32, #tpu.memory_space<vmem>> -> memref<32xi32, #tpu.memory_space<vmem>>
      %dma_start3A_543 = arith.constant 0 : i32
      %dma_start3A_544 = arith.constant 0 : i32
      %dma_start3A_545 = tpu.memref_slice %arg6[%dma_start3A_543, %dma_start3A_544] : memref<10000x128xf32, #tpu.memory_space<vmem_shared>> -> memref<10000x128xf32, #tpu.memory_space<vmem_shared>>
      tpu.enqueue_indirect_dma source(%dma_start3A_545 : memref<10000x128xf32, #tpu.memory_space<vmem_shared>>) target(%arg10 : memref<32x128xf32, #tpu.memory_space<vmem>>) offsets(%dma_start3A_542 : memref<32xi32, #tpu.memory_space<vmem>>) semaphore(%arg12 : memref<!tpu.dma_semaphore, #tpu.memory_space<semaphore_mem>>)
      %dma_wait3A_546 = arith.constant 2 : i32
      %dma_wait3A_547 = arith.constant 0 : i32
      %dma_wait3A_548 = tpu.memref_slice %arg8[%dma_wait3A_546, %dma_wait3A_547] : memref<8x32xi32, #tpu.memory_space<vmem>> -> memref<1x32xi32, #tpu.memory_space<vmem>>
      %dma_wait3A_549 = tpu.memref_squeeze %dma_wait3A_548 : memref<1x32xi32, #tpu.memory_space<vmem>> -> memref<32xi32, #tpu.memory_space<vmem>>
      %dma_wait3A_550 = arith.constant 0 : i32
      %dma_wait3A_551 = arith.constant 0 : i32
      %dma_wait3A_552 = tpu.memref_slice %arg6[%dma_wait3A_550, %dma_wait3A_551] : memref<10000x128xf32, #tpu.memory_space<vmem_shared>> -> memref<10000x128xf32, #tpu.memory_space<vmem_shared>>
      tpu.wait_indirect_dma semaphore(%arg12 : memref<!tpu.dma_semaphore, #tpu.memory_space<semaphore_mem>>) src(%dma_wait3A_552 : memref<10000x128xf32, #tpu.memory_space<vmem_shared>>) dst(%arg10 : memref<32x128xf32, #tpu.memory_space<vmem>>)
      %dma_start3A_553 = arith.constant 2 : i32
      %dma_start3A_554 = arith.constant 0 : i32
      %dma_start3A_555 = tpu.memref_slice %arg9[%dma_start3A_553, %dma_start3A_554] : memref<8x32xi32, #tpu.memory_space<vmem>> -> memref<1x32xi32, #tpu.memory_space<vmem>>
      %dma_start3A_556 = tpu.memref_squeeze %dma_start3A_555 : memref<1x32xi32, #tpu.memory_space<vmem>> -> memref<32xi32, #tpu.memory_space<vmem>>
      %dma_start3A_557 = arith.constant 0 : i32
      %dma_start3A_558 = arith.constant 0 : i32
      %dma_start3A_559 = tpu.memref_slice %arg7[%dma_start3A_557, %dma_start3A_558] : memref<5040x128xf32, #tpu.memory_space<vmem_shared>> -> memref<5040x128xf32, #tpu.memory_space<vmem_shared>>
      tpu.enqueue_indirect_dma source(%arg10 : memref<32x128xf32, #tpu.memory_space<vmem>>) target(%dma_start3A_559 : memref<5040x128xf32, #tpu.memory_space<vmem_shared>>) offsets(%dma_start3A_556 : memref<32xi32, #tpu.memory_space<vmem>>) semaphore(%arg15 : memref<!tpu.dma_semaphore, #tpu.memory_space<semaphore_mem>>) {add = true}
      %dma_wait3A_560 = arith.constant 1 : i32
      %dma_wait3A_561 = arith.constant 0 : i32
      %dma_wait3A_562 = tpu.memref_slice %arg9[%dma_wait3A_560, %dma_wait3A_561] : memref<8x32xi32, #tpu.memory_space<vmem>> -> memref<1x32xi32, #tpu.memory_space<vmem>>
      %dma_wait3A_563 = tpu.memref_squeeze %dma_wait3A_562 : memref<1x32xi32, #tpu.memory_space<vmem>> -> memref<32xi32, #tpu.memory_space<vmem>>
      %dma_wait3A_564 = arith.constant 0 : i32
      %dma_wait3A_565 = arith.constant 0 : i32
      %dma_wait3A_566 = tpu.memref_slice %arg7[%dma_wait3A_564, %dma_wait3A_565] : memref<5040x128xf32, #tpu.memory_space<vmem_shared>> -> memref<5040x128xf32, #tpu.memory_space<vmem_shared>>
      tpu.wait_indirect_dma semaphore(%arg16 : memref<!tpu.dma_semaphore, #tpu.memory_space<semaphore_mem>>) src(%arg11 : memref<32x128xf32, #tpu.memory_space<vmem>>) dst(%dma_wait3A_566 : memref<5040x128xf32, #tpu.memory_space<vmem_shared>>)
      %dma_start3A_567 = arith.constant 3 : i32
      %dma_start3A_568 = arith.constant 0 : i32
      %dma_start3A_569 = tpu.memref_slice %arg8[%dma_start3A_567, %dma_start3A_568] : memref<8x32xi32, #tpu.memory_space<vmem>> -> memref<1x32xi32, #tpu.memory_space<vmem>>
      %dma_start3A_570 = tpu.memref_squeeze %dma_start3A_569 : memref<1x32xi32, #tpu.memory_space<vmem>> -> memref<32xi32, #tpu.memory_space<vmem>>
      %dma_start3A_571 = arith.constant 0 : i32
      %dma_start3A_572 = arith.constant 0 : i32
      %dma_start3A_573 = tpu.memref_slice %arg6[%dma_start3A_571, %dma_start3A_572] : memref<10000x128xf32, #tpu.memory_space<vmem_shared>> -> memref<10000x128xf32, #tpu.memory_space<vmem_shared>>
      tpu.enqueue_indirect_dma source(%dma_start3A_573 : memref<10000x128xf32, #tpu.memory_space<vmem_shared>>) target(%arg11 : memref<32x128xf32, #tpu.memory_space<vmem>>) offsets(%dma_start3A_570 : memref<32xi32, #tpu.memory_space<vmem>>) semaphore(%arg13 : memref<!tpu.dma_semaphore, #tpu.memory_space<semaphore_mem>>)
      %dma_wait3A_574 = arith.constant 3 : i32
      %dma_wait3A_575 = arith.constant 0 : i32
      %dma_wait3A_576 = tpu.memref_slice %arg8[%dma_wait3A_574, %dma_wait3A_575] : memref<8x32xi32, #tpu.memory_space<vmem>> -> memref<1x32xi32, #tpu.memory_space<vmem>>
      %dma_wait3A_577 = tpu.memref_squeeze %dma_wait3A_576 : memref<1x32xi32, #tpu.memory_space<vmem>> -> memref<32xi32, #tpu.memory_space<vmem>>
      %dma_wait3A_578 = arith.constant 0 : i32
      %dma_wait3A_579 = arith.constant 0 : i32
      %dma_wait3A_580 = tpu.memref_slice %arg6[%dma_wait3A_578, %dma_wait3A_579] : memref<10000x128xf32, #tpu.memory_space<vmem_shared>> -> memref<10000x128xf32, #tpu.memory_space<vmem_shared>>
      tpu.wait_indirect_dma semaphore(%arg13 : memref<!tpu.dma_semaphore, #tpu.memory_space<semaphore_mem>>) src(%dma_wait3A_580 : memref<10000x128xf32, #tpu.memory_space<vmem_shared>>) dst(%arg11 : memref<32x128xf32, #tpu.memory_space<vmem>>)
      %dma_start3A_581 = arith.constant 3 : i32
      %dma_start3A_582 = arith.constant 0 : i32
      %dma_start3A_583 = tpu.memref_slice %arg9[%dma_start3A_581, %dma_start3A_582] : memref<8x32xi32, #tpu.memory_space<vmem>> -> memref<1x32xi32, #tpu.memory_space<vmem>>
      %dma_start3A_584 = tpu.memref_squeeze %dma_start3A_583 : memref<1x32xi32, #tpu.memory_space<vmem>> -> memref<32xi32, #tpu.memory_space<vmem>>
      %dma_start3A_585 = arith.constant 0 : i32
      %dma_start3A_586 = arith.constant 0 : i32
      %dma_start3A_587 = tpu.memref_slice %arg7[%dma_start3A_585, %dma_start3A_586] : memref<5040x128xf32, #tpu.memory_space<vmem_shared>> -> memref<5040x128xf32, #tpu.memory_space<vmem_shared>>
      tpu.enqueue_indirect_dma source(%arg11 : memref<32x128xf32, #tpu.memory_space<vmem>>) target(%dma_start3A_587 : memref<5040x128xf32, #tpu.memory_space<vmem_shared>>) offsets(%dma_start3A_584 : memref<32xi32, #tpu.memory_space<vmem>>) semaphore(%arg16 : memref<!tpu.dma_semaphore, #tpu.memory_space<semaphore_mem>>) {add = true}
      %dma_wait3A_588 = arith.constant 2 : i32
      %dma_wait3A_589 = arith.constant 0 : i32
      %dma_wait3A_590 = tpu.memref_slice %arg9[%dma_wait3A_588, %dma_wait3A_589] : memref<8x32xi32, #tpu.memory_space<vmem>> -> memref<1x32xi32, #tpu.memory_space<vmem>>
      %dma_wait3A_591 = tpu.memref_squeeze %dma_wait3A_590 : memref<1x32xi32, #tpu.memory_space<vmem>> -> memref<32xi32, #tpu.memory_space<vmem>>
      %dma_wait3A_592 = arith.constant 0 : i32
      %dma_wait3A_593 = arith.constant 0 : i32
      %dma_wait3A_594 = tpu.memref_slice %arg7[%dma_wait3A_592, %dma_wait3A_593] : memref<5040x128xf32, #tpu.memory_space<vmem_shared>> -> memref<5040x128xf32, #tpu.memory_space<vmem_shared>>
      tpu.wait_indirect_dma semaphore(%arg15 : memref<!tpu.dma_semaphore, #tpu.memory_space<semaphore_mem>>) src(%arg10 : memref<32x128xf32, #tpu.memory_space<vmem>>) dst(%dma_wait3A_594 : memref<5040x128xf32, #tpu.memory_space<vmem_shared>>)
      %dma_start3A_595 = arith.constant 4 : i32
      %dma_start3A_596 = arith.constant 0 : i32
      %dma_start3A_597 = tpu.memref_slice %arg8[%dma_start3A_595, %dma_start3A_596] : memref<8x32xi32, #tpu.memory_space<vmem>> -> memref<1x32xi32, #tpu.memory_space<vmem>>
      %dma_start3A_598 = tpu.memref_squeeze %dma_start3A_597 : memref<1x32xi32, #tpu.memory_space<vmem>> -> memref<32xi32, #tpu.memory_space<vmem>>
      %dma_start3A_599 = arith.constant 0 : i32
      %dma_start3A_600 = arith.constant 0 : i32
      %dma_start3A_601 = tpu.memref_slice %arg6[%dma_start3A_599, %dma_start3A_600] : memref<10000x128xf32, #tpu.memory_space<vmem_shared>> -> memref<10000x128xf32, #tpu.memory_space<vmem_shared>>
      tpu.enqueue_indirect_dma source(%dma_start3A_601 : memref<10000x128xf32, #tpu.memory_space<vmem_shared>>) target(%arg10 : memref<32x128xf32, #tpu.memory_space<vmem>>) offsets(%dma_start3A_598 : memref<32xi32, #tpu.memory_space<vmem>>) semaphore(%arg12 : memref<!tpu.dma_semaphore, #tpu.memory_space<semaphore_mem>>)
      %dma_wait3A_602 = arith.constant 4 : i32
      %dma_wait3A_603 = arith.constant 0 : i32
      %dma_wait3A_604 = tpu.memref_slice %arg8[%dma_wait3A_602, %dma_wait3A_603] : memref<8x32xi32, #tpu.memory_space<vmem>> -> memref<1x32xi32, #tpu.memory_space<vmem>>
      %dma_wait3A_605 = tpu.memref_squeeze %dma_wait3A_604 : memref<1x32xi32, #tpu.memory_space<vmem>> -> memref<32xi32, #tpu.memory_space<vmem>>
      %dma_wait3A_606 = arith.constant 0 : i32
      %dma_wait3A_607 = arith.constant 0 : i32
      %dma_wait3A_608 = tpu.memref_slice %arg6[%dma_wait3A_606, %dma_wait3A_607] : memref<10000x128xf32, #tpu.memory_space<vmem_shared>> -> memref<10000x128xf32, #tpu.memory_space<vmem_shared>>
      tpu.wait_indirect_dma semaphore(%arg12 : memref<!tpu.dma_semaphore, #tpu.memory_space<semaphore_mem>>) src(%dma_wait3A_608 : memref<10000x128xf32, #tpu.memory_space<vmem_shared>>) dst(%arg10 : memref<32x128xf32, #tpu.memory_space<vmem>>)
      %dma_start3A_609 = arith.constant 4 : i32
      %dma_start3A_610 = arith.constant 0 : i32
      %dma_start3A_611 = tpu.memref_slice %arg9[%dma_start3A_609, %dma_start3A_610] : memref<8x32xi32, #tpu.memory_space<vmem>> -> memref<1x32xi32, #tpu.memory_space<vmem>>
      %dma_start3A_612 = tpu.memref_squeeze %dma_start3A_611 : memref<1x32xi32, #tpu.memory_space<vmem>> -> memref<32xi32, #tpu.memory_space<vmem>>
      %dma_start3A_613 = arith.constant 0 : i32
      %dma_start3A_614 = arith.constant 0 : i32
      %dma_start3A_615 = tpu.memref_slice %arg7[%dma_start3A_613, %dma_start3A_614] : memref<5040x128xf32, #tpu.memory_space<vmem_shared>> -> memref<5040x128xf32, #tpu.memory_space<vmem_shared>>
      tpu.enqueue_indirect_dma source(%arg10 : memref<32x128xf32, #tpu.memory_space<vmem>>) target(%dma_start3A_615 : memref<5040x128xf32, #tpu.memory_space<vmem_shared>>) offsets(%dma_start3A_612 : memref<32xi32, #tpu.memory_space<vmem>>) semaphore(%arg15 : memref<!tpu.dma_semaphore, #tpu.memory_space<semaphore_mem>>) {add = true}
      %dma_wait3A_616 = arith.constant 3 : i32
      %dma_wait3A_617 = arith.constant 0 : i32
      %dma_wait3A_618 = tpu.memref_slice %arg9[%dma_wait3A_616, %dma_wait3A_617] : memref<8x32xi32, #tpu.memory_space<vmem>> -> memref<1x32xi32, #tpu.memory_space<vmem>>
      %dma_wait3A_619 = tpu.memref_squeeze %dma_wait3A_618 : memref<1x32xi32, #tpu.memory_space<vmem>> -> memref<32xi32, #tpu.memory_space<vmem>>
      %dma_wait3A_620 = arith.constant 0 : i32
      %dma_wait3A_621 = arith.constant 0 : i32
      %dma_wait3A_622 = tpu.memref_slice %arg7[%dma_wait3A_620, %dma_wait3A_621] : memref<5040x128xf32, #tpu.memory_space<vmem_shared>> -> memref<5040x128xf32, #tpu.memory_space<vmem_shared>>
      tpu.wait_indirect_dma semaphore(%arg16 : memref<!tpu.dma_semaphore, #tpu.memory_space<semaphore_mem>>) src(%arg11 : memref<32x128xf32, #tpu.memory_space<vmem>>) dst(%dma_wait3A_622 : memref<5040x128xf32, #tpu.memory_space<vmem_shared>>)
      %dma_start3A_623 = arith.constant 5 : i32
      %dma_start3A_624 = arith.constant 0 : i32
      %dma_start3A_625 = tpu.memref_slice %arg8[%dma_start3A_623, %dma_start3A_624] : memref<8x32xi32, #tpu.memory_space<vmem>> -> memref<1x32xi32, #tpu.memory_space<vmem>>
      %dma_start3A_626 = tpu.memref_squeeze %dma_start3A_625 : memref<1x32xi32, #tpu.memory_space<vmem>> -> memref<32xi32, #tpu.memory_space<vmem>>
      %dma_start3A_627 = arith.constant 0 : i32
      %dma_start3A_628 = arith.constant 0 : i32
      %dma_start3A_629 = tpu.memref_slice %arg6[%dma_start3A_627, %dma_start3A_628] : memref<10000x128xf32, #tpu.memory_space<vmem_shared>> -> memref<10000x128xf32, #tpu.memory_space<vmem_shared>>
      tpu.enqueue_indirect_dma source(%dma_start3A_629 : memref<10000x128xf32, #tpu.memory_space<vmem_shared>>) target(%arg11 : memref<32x128xf32, #tpu.memory_space<vmem>>) offsets(%dma_start3A_626 : memref<32xi32, #tpu.memory_space<vmem>>) semaphore(%arg13 : memref<!tpu.dma_semaphore, #tpu.memory_space<semaphore_mem>>)
      %dma_wait3A_630 = arith.constant 5 : i32
      %dma_wait3A_631 = arith.constant 0 : i32
      %dma_wait3A_632 = tpu.memref_slice %arg8[%dma_wait3A_630, %dma_wait3A_631] : memref<8x32xi32, #tpu.memory_space<vmem>> -> memref<1x32xi32, #tpu.memory_space<vmem>>
      %dma_wait3A_633 = tpu.memref_squeeze %dma_wait3A_632 : memref<1x32xi32, #tpu.memory_space<vmem>> -> memref<32xi32, #tpu.memory_space<vmem>>
      %dma_wait3A_634 = arith.constant 0 : i32
      %dma_wait3A_635 = arith.constant 0 : i32
      %dma_wait3A_636 = tpu.memref_slice %arg6[%dma_wait3A_634, %dma_wait3A_635] : memref<10000x128xf32, #tpu.memory_space<vmem_shared>> -> memref<10000x128xf32, #tpu.memory_space<vmem_shared>>
      tpu.wait_indirect_dma semaphore(%arg13 : memref<!tpu.dma_semaphore, #tpu.memory_space<semaphore_mem>>) src(%dma_wait3A_636 : memref<10000x128xf32, #tpu.memory_space<vmem_shared>>) dst(%arg11 : memref<32x128xf32, #tpu.memory_space<vmem>>)
      %dma_start3A_637 = arith.constant 5 : i32
      %dma_start3A_638 = arith.constant 0 : i32
      %dma_start3A_639 = tpu.memref_slice %arg9[%dma_start3A_637, %dma_start3A_638] : memref<8x32xi32, #tpu.memory_space<vmem>> -> memref<1x32xi32, #tpu.memory_space<vmem>>
      %dma_start3A_640 = tpu.memref_squeeze %dma_start3A_639 : memref<1x32xi32, #tpu.memory_space<vmem>> -> memref<32xi32, #tpu.memory_space<vmem>>
      %dma_start3A_641 = arith.constant 0 : i32
      %dma_start3A_642 = arith.constant 0 : i32
      %dma_start3A_643 = tpu.memref_slice %arg7[%dma_start3A_641, %dma_start3A_642] : memref<5040x128xf32, #tpu.memory_space<vmem_shared>> -> memref<5040x128xf32, #tpu.memory_space<vmem_shared>>
      tpu.enqueue_indirect_dma source(%arg11 : memref<32x128xf32, #tpu.memory_space<vmem>>) target(%dma_start3A_643 : memref<5040x128xf32, #tpu.memory_space<vmem_shared>>) offsets(%dma_start3A_640 : memref<32xi32, #tpu.memory_space<vmem>>) semaphore(%arg16 : memref<!tpu.dma_semaphore, #tpu.memory_space<semaphore_mem>>) {add = true}
      %dma_wait3A_644 = arith.constant 4 : i32
      %dma_wait3A_645 = arith.constant 0 : i32
      %dma_wait3A_646 = tpu.memref_slice %arg9[%dma_wait3A_644, %dma_wait3A_645] : memref<8x32xi32, #tpu.memory_space<vmem>> -> memref<1x32xi32, #tpu.memory_space<vmem>>
      %dma_wait3A_647 = tpu.memref_squeeze %dma_wait3A_646 : memref<1x32xi32, #tpu.memory_space<vmem>> -> memref<32xi32, #tpu.memory_space<vmem>>
      %dma_wait3A_648 = arith.constant 0 : i32
      %dma_wait3A_649 = arith.constant 0 : i32
      %dma_wait3A_650 = tpu.memref_slice %arg7[%dma_wait3A_648, %dma_wait3A_649] : memref<5040x128xf32, #tpu.memory_space<vmem_shared>> -> memref<5040x128xf32, #tpu.memory_space<vmem_shared>>
      tpu.wait_indirect_dma semaphore(%arg15 : memref<!tpu.dma_semaphore, #tpu.memory_space<semaphore_mem>>) src(%arg10 : memref<32x128xf32, #tpu.memory_space<vmem>>) dst(%dma_wait3A_650 : memref<5040x128xf32, #tpu.memory_space<vmem_shared>>)
      %dma_start3A_651 = arith.constant 6 : i32
      %dma_start3A_652 = arith.constant 0 : i32
      %dma_start3A_653 = tpu.memref_slice %arg8[%dma_start3A_651, %dma_start3A_652] : memref<8x32xi32, #tpu.memory_space<vmem>> -> memref<1x32xi32, #tpu.memory_space<vmem>>
      %dma_start3A_654 = tpu.memref_squeeze %dma_start3A_653 : memref<1x32xi32, #tpu.memory_space<vmem>> -> memref<32xi32, #tpu.memory_space<vmem>>
      %dma_start3A_655 = arith.constant 0 : i32
      %dma_start3A_656 = arith.constant 0 : i32
      %dma_start3A_657 = tpu.memref_slice %arg6[%dma_start3A_655, %dma_start3A_656] : memref<10000x128xf32, #tpu.memory_space<vmem_shared>> -> memref<10000x128xf32, #tpu.memory_space<vmem_shared>>
      tpu.enqueue_indirect_dma source(%dma_start3A_657 : memref<10000x128xf32, #tpu.memory_space<vmem_shared>>) target(%arg10 : memref<32x128xf32, #tpu.memory_space<vmem>>) offsets(%dma_start3A_654 : memref<32xi32, #tpu.memory_space<vmem>>) semaphore(%arg12 : memref<!tpu.dma_semaphore, #tpu.memory_space<semaphore_mem>>)
      %dma_wait3A_658 = arith.constant 6 : i32
      %dma_wait3A_659 = arith.constant 0 : i32
      %dma_wait3A_660 = tpu.memref_slice %arg8[%dma_wait3A_658, %dma_wait3A_659] : memref<8x32xi32, #tpu.memory_space<vmem>> -> memref<1x32xi32, #tpu.memory_space<vmem>>
      %dma_wait3A_661 = tpu.memref_squeeze %dma_wait3A_660 : memref<1x32xi32, #tpu.memory_space<vmem>> -> memref<32xi32, #tpu.memory_space<vmem>>
      %dma_wait3A_662 = arith.constant 0 : i32
      %dma_wait3A_663 = arith.constant 0 : i32
      %dma_wait3A_664 = tpu.memref_slice %arg6[%dma_wait3A_662, %dma_wait3A_663] : memref<10000x128xf32, #tpu.memory_space<vmem_shared>> -> memref<10000x128xf32, #tpu.memory_space<vmem_shared>>
      tpu.wait_indirect_dma semaphore(%arg12 : memref<!tpu.dma_semaphore, #tpu.memory_space<semaphore_mem>>) src(%dma_wait3A_664 : memref<10000x128xf32, #tpu.memory_space<vmem_shared>>) dst(%arg10 : memref<32x128xf32, #tpu.memory_space<vmem>>)
      %dma_start3A_665 = arith.constant 6 : i32
      %dma_start3A_666 = arith.constant 0 : i32
      %dma_start3A_667 = tpu.memref_slice %arg9[%dma_start3A_665, %dma_start3A_666] : memref<8x32xi32, #tpu.memory_space<vmem>> -> memref<1x32xi32, #tpu.memory_space<vmem>>
      %dma_start3A_668 = tpu.memref_squeeze %dma_start3A_667 : memref<1x32xi32, #tpu.memory_space<vmem>> -> memref<32xi32, #tpu.memory_space<vmem>>
      %dma_start3A_669 = arith.constant 0 : i32
      %dma_start3A_670 = arith.constant 0 : i32
      %dma_start3A_671 = tpu.memref_slice %arg7[%dma_start3A_669, %dma_start3A_670] : memref<5040x128xf32, #tpu.memory_space<vmem_shared>> -> memref<5040x128xf32, #tpu.memory_space<vmem_shared>>
      tpu.enqueue_indirect_dma source(%arg10 : memref<32x128xf32, #tpu.memory_space<vmem>>) target(%dma_start3A_671 : memref<5040x128xf32, #tpu.memory_space<vmem_shared>>) offsets(%dma_start3A_668 : memref<32xi32, #tpu.memory_space<vmem>>) semaphore(%arg15 : memref<!tpu.dma_semaphore, #tpu.memory_space<semaphore_mem>>) {add = true}
      %dma_wait3A_672 = arith.constant 5 : i32
      %dma_wait3A_673 = arith.constant 0 : i32
      %dma_wait3A_674 = tpu.memref_slice %arg9[%dma_wait3A_672, %dma_wait3A_673] : memref<8x32xi32, #tpu.memory_space<vmem>> -> memref<1x32xi32, #tpu.memory_space<vmem>>
      %dma_wait3A_675 = tpu.memref_squeeze %dma_wait3A_674 : memref<1x32xi32, #tpu.memory_space<vmem>> -> memref<32xi32, #tpu.memory_space<vmem>>
      %dma_wait3A_676 = arith.constant 0 : i32
      %dma_wait3A_677 = arith.constant 0 : i32
      %dma_wait3A_678 = tpu.memref_slice %arg7[%dma_wait3A_676, %dma_wait3A_677] : memref<5040x128xf32, #tpu.memory_space<vmem_shared>> -> memref<5040x128xf32, #tpu.memory_space<vmem_shared>>
      tpu.wait_indirect_dma semaphore(%arg16 : memref<!tpu.dma_semaphore, #tpu.memory_space<semaphore_mem>>) src(%arg11 : memref<32x128xf32, #tpu.memory_space<vmem>>) dst(%dma_wait3A_678 : memref<5040x128xf32, #tpu.memory_space<vmem_shared>>)
      %dma_start3A_679 = arith.constant 7 : i32
      %dma_start3A_680 = arith.constant 0 : i32
      %dma_start3A_681 = tpu.memref_slice %arg8[%dma_start3A_679, %dma_start3A_680] : memref<8x32xi32, #tpu.memory_space<vmem>> -> memref<1x32xi32, #tpu.memory_space<vmem>>
      %dma_start3A_682 = tpu.memref_squeeze %dma_start3A_681 : memref<1x32xi32, #tpu.memory_space<vmem>> -> memref<32xi32, #tpu.memory_space<vmem>>
      %dma_start3A_683 = arith.constant 0 : i32
      %dma_start3A_684 = arith.constant 0 : i32
      %dma_start3A_685 = tpu.memref_slice %arg6[%dma_start3A_683, %dma_start3A_684] : memref<10000x128xf32, #tpu.memory_space<vmem_shared>> -> memref<10000x128xf32, #tpu.memory_space<vmem_shared>>
      tpu.enqueue_indirect_dma source(%dma_start3A_685 : memref<10000x128xf32, #tpu.memory_space<vmem_shared>>) target(%arg11 : memref<32x128xf32, #tpu.memory_space<vmem>>) offsets(%dma_start3A_682 : memref<32xi32, #tpu.memory_space<vmem>>) semaphore(%arg13 : memref<!tpu.dma_semaphore, #tpu.memory_space<semaphore_mem>>)
      %dma_wait3A_686 = arith.constant 7 : i32
      %dma_wait3A_687 = arith.constant 0 : i32
      %dma_wait3A_688 = tpu.memref_slice %arg8[%dma_wait3A_686, %dma_wait3A_687] : memref<8x32xi32, #tpu.memory_space<vmem>> -> memref<1x32xi32, #tpu.memory_space<vmem>>
      %dma_wait3A_689 = tpu.memref_squeeze %dma_wait3A_688 : memref<1x32xi32, #tpu.memory_space<vmem>> -> memref<32xi32, #tpu.memory_space<vmem>>
      %dma_wait3A_690 = arith.constant 0 : i32
      %dma_wait3A_691 = arith.constant 0 : i32
      %dma_wait3A_692 = tpu.memref_slice %arg6[%dma_wait3A_690, %dma_wait3A_691] : memref<10000x128xf32, #tpu.memory_space<vmem_shared>> -> memref<10000x128xf32, #tpu.memory_space<vmem_shared>>
      tpu.wait_indirect_dma semaphore(%arg13 : memref<!tpu.dma_semaphore, #tpu.memory_space<semaphore_mem>>) src(%dma_wait3A_692 : memref<10000x128xf32, #tpu.memory_space<vmem_shared>>) dst(%arg11 : memref<32x128xf32, #tpu.memory_space<vmem>>)
      %add3A_693 = arith.constant 1 : i32
      %add3A_694 = arith.addi %scan3A_51, %add3A_693 : i32
      %lt3A_695 = arith.constant 79 : i32
      %lt3A_696 = arith.cmpi slt, %add3A_694, %lt3A_695 : i32
      %convert_element_type3A_697 = arith.extui %lt3A_696 : i1 to i32
      %cond3A_698 = arith.constant 0 : i32
      %cond3A_699 = arith.cmpi ne, %convert_element_type3A_697, %cond3A_698 : i32
      scf.if %cond3A_699 {
        %dma_start3A_729 = arith.constant 0 : i32
        %dma_start3A_730 = tpu.memref_slice %arg3[%add3A_63, %dma_start3A_729] : memref<10112x32xi32, #tpu.memory_space<hbm>> -> memref<8x32xi32, #tpu.memory_space<hbm>>
        %dma_start3A_731 = arith.constant 0 : i32
        %dma_start3A_732 = tpu.memref_slice %arg3[%add3A_63, %dma_start3A_731] : memref<10112x32xi32, #tpu.memory_space<hbm>> -> memref<8x32xi32, #tpu.memory_space<hbm>>
        tpu.enqueue_dma source(%dma_start3A_732 : memref<8x32xi32, #tpu.memory_space<hbm>>) target(%arg8 : memref<8x32xi32, #tpu.memory_space<vmem>>) target_semaphore(%arg14 : memref<!tpu.dma_semaphore, #tpu.memory_space<semaphore_mem>>)
      } else {
      }
      %dma_start3A_700 = arith.constant 7 : i32
      %dma_start3A_701 = arith.constant 0 : i32
      %dma_start3A_702 = tpu.memref_slice %arg9[%dma_start3A_700, %dma_start3A_701] : memref<8x32xi32, #tpu.memory_space<vmem>> -> memref<1x32xi32, #tpu.memory_space<vmem>>
      %dma_start3A_703 = tpu.memref_squeeze %dma_start3A_702 : memref<1x32xi32, #tpu.memory_space<vmem>> -> memref<32xi32, #tpu.memory_space<vmem>>
      %dma_start3A_704 = arith.constant 0 : i32
      %dma_start3A_705 = arith.constant 0 : i32
      %dma_start3A_706 = tpu.memref_slice %arg7[%dma_start3A_704, %dma_start3A_705] : memref<5040x128xf32, #tpu.memory_space<vmem_shared>> -> memref<5040x128xf32, #tpu.memory_space<vmem_shared>>
      tpu.enqueue_indirect_dma source(%arg11 : memref<32x128xf32, #tpu.memory_space<vmem>>) target(%dma_start3A_706 : memref<5040x128xf32, #tpu.memory_space<vmem_shared>>) offsets(%dma_start3A_703 : memref<32xi32, #tpu.memory_space<vmem>>) semaphore(%arg16 : memref<!tpu.dma_semaphore, #tpu.memory_space<semaphore_mem>>) {add = true}
      %dma_wait3A_707 = arith.constant 6 : i32
      %dma_wait3A_708 = arith.constant 0 : i32
      %dma_wait3A_709 = tpu.memref_slice %arg9[%dma_wait3A_707, %dma_wait3A_708] : memref<8x32xi32, #tpu.memory_space<vmem>> -> memref<1x32xi32, #tpu.memory_space<vmem>>
      %dma_wait3A_710 = tpu.memref_squeeze %dma_wait3A_709 : memref<1x32xi32, #tpu.memory_space<vmem>> -> memref<32xi32, #tpu.memory_space<vmem>>
      %dma_wait3A_711 = arith.constant 0 : i32
      %dma_wait3A_712 = arith.constant 0 : i32
      %dma_wait3A_713 = tpu.memref_slice %arg7[%dma_wait3A_711, %dma_wait3A_712] : memref<5040x128xf32, #tpu.memory_space<vmem_shared>> -> memref<5040x128xf32, #tpu.memory_space<vmem_shared>>
      tpu.wait_indirect_dma semaphore(%arg15 : memref<!tpu.dma_semaphore, #tpu.memory_space<semaphore_mem>>) src(%arg10 : memref<32x128xf32, #tpu.memory_space<vmem>>) dst(%dma_wait3A_713 : memref<5040x128xf32, #tpu.memory_space<vmem_shared>>)
      %dma_wait3A_714 = arith.constant 7 : i32
      %dma_wait3A_715 = arith.constant 0 : i32
      %dma_wait3A_716 = tpu.memref_slice %arg9[%dma_wait3A_714, %dma_wait3A_715] : memref<8x32xi32, #tpu.memory_space<vmem>> -> memref<1x32xi32, #tpu.memory_space<vmem>>
      %dma_wait3A_717 = tpu.memref_squeeze %dma_wait3A_716 : memref<1x32xi32, #tpu.memory_space<vmem>> -> memref<32xi32, #tpu.memory_space<vmem>>
      %dma_wait3A_718 = arith.constant 0 : i32
      %dma_wait3A_719 = arith.constant 0 : i32
      %dma_wait3A_720 = tpu.memref_slice %arg7[%dma_wait3A_718, %dma_wait3A_719] : memref<5040x128xf32, #tpu.memory_space<vmem_shared>> -> memref<5040x128xf32, #tpu.memory_space<vmem_shared>>
      tpu.wait_indirect_dma semaphore(%arg16 : memref<!tpu.dma_semaphore, #tpu.memory_space<semaphore_mem>>) src(%arg11 : memref<32x128xf32, #tpu.memory_space<vmem>>) dst(%dma_wait3A_720 : memref<5040x128xf32, #tpu.memory_space<vmem_shared>>)
      %add3A_721 = arith.constant 1 : i32
      %add3A_722 = arith.addi %scan3A_51, %add3A_721 : i32
      %lt3A_723 = arith.constant 79 : i32
      %lt3A_724 = arith.cmpi slt, %add3A_722, %lt3A_723 : i32
      %convert_element_type3A_725 = arith.extui %lt3A_724 : i1 to i32
      %cond3A_726 = arith.constant 0 : i32
      %cond3A_727 = arith.cmpi ne, %convert_element_type3A_725, %cond3A_726 : i32
      scf.if %cond3A_727 {
        %dma_start3A_729 = arith.constant 0 : i32
        %dma_start3A_730 = tpu.memref_slice %arg4[%add3A_63, %dma_start3A_729] : memref<10112x32xi32, #tpu.memory_space<hbm>> -> memref<8x32xi32, #tpu.memory_space<hbm>>
        %dma_start3A_731 = arith.constant 0 : i32
        %dma_start3A_732 = tpu.memref_slice %arg4[%add3A_63, %dma_start3A_731] : memref<10112x32xi32, #tpu.memory_space<hbm>> -> memref<8x32xi32, #tpu.memory_space<hbm>>
        tpu.enqueue_dma source(%dma_start3A_732 : memref<8x32xi32, #tpu.memory_space<hbm>>) target(%arg9 : memref<8x32xi32, #tpu.memory_space<vmem>>) target_semaphore(%arg14 : memref<!tpu.dma_semaphore, #tpu.memory_space<semaphore_mem>>)
      } else {
      }
      %scan3A_728 = arith.constant 0 : i32
      scf.yield %scan3A_728 : i32
    }
    %scan3A_39 = arith.constant 79 : i32
    %barrier3A_40 = arith.constant 0 : index
    tpu.barrier barrier_id(%barrier3A_40)
    %lt3A_41 = arith.constant 15 : i32
    %lt3A_42 = arith.cmpi slt, %arg1, %lt3A_41 : i32
    %convert_element_type3A_43 = arith.extui %lt3A_42 : i1 to i32
    %cond3A_44 = arith.constant 0 : i32
    %cond3A_45 = arith.cmpi ne, %convert_element_type3A_43, %cond3A_44 : i32
    scf.if %cond3A_45 {
      %mul3A_51 = arith.constant 320 : i32
      %mul3A_52 = arith.muli %arg1, %mul3A_51 : i32
      %mul3A_53 = arith.constant 320 : i32
      %mul3A_54 = arith.muli %arg1, %mul3A_53 : i32
      "tpu.region"() ({
        %run_scoped3A = tpu.sem_alloc : memref<!tpu.dma_semaphore, #tpu.memory_space<semaphore_mem>>
        %dma_start3A_55 = arith.constant 0 : i32
        %dma_start3A_56 = tpu.memref_slice %arg5[%arg0, %mul3A_54, %dma_start3A_55] : memref<2x5008x128xf32, #tpu.memory_space<hbm>> -> memref<1x320x128xf32, #tpu.memory_space<hbm>>
        %dma_start3A_57 = tpu.memref_squeeze %dma_start3A_56 : memref<1x320x128xf32, #tpu.memory_space<hbm>> -> memref<320x128xf32, #tpu.memory_space<hbm>>
        %dma_start3A_58 = arith.constant 0 : i32
        %dma_start3A_59 = tpu.memref_slice %arg7[%mul3A_52, %dma_start3A_58] : memref<5040x128xf32, #tpu.memory_space<vmem_shared>> -> memref<320x128xf32, #tpu.memory_space<vmem_shared>>
        tpu.enqueue_dma source(%dma_start3A_59 : memref<320x128xf32, #tpu.memory_space<vmem_shared>>) target(%dma_start3A_57 : memref<320x128xf32, #tpu.memory_space<hbm>>) target_semaphore(%run_scoped3A : memref<!tpu.dma_semaphore, #tpu.memory_space<semaphore_mem>>)
        %dma_wait3A = arith.constant 0 : i32
        %dma_wait3A_60 = tpu.memref_slice %arg5[%arg0, %mul3A_54, %dma_wait3A] : memref<2x5008x128xf32, #tpu.memory_space<hbm>> -> memref<1x320x128xf32, #tpu.memory_space<hbm>>
        %dma_wait3A_61 = tpu.memref_squeeze %dma_wait3A_60 : memref<1x320x128xf32, #tpu.memory_space<hbm>> -> memref<320x128xf32, #tpu.memory_space<hbm>>
        %dma_wait3A_62 = arith.constant 0 : i32
        %dma_wait3A_63 = tpu.memref_slice %arg7[%mul3A_52, %dma_wait3A_62] : memref<5040x128xf32, #tpu.memory_space<vmem_shared>> -> memref<320x128xf32, #tpu.memory_space<vmem_shared>>
        tpu.wait_dma2 semaphore(%run_scoped3A : memref<!tpu.dma_semaphore, #tpu.memory_space<semaphore_mem>>) src(%dma_wait3A_63 : memref<320x128xf32, #tpu.memory_space<vmem_shared>>) dst(%dma_wait3A_61 : memref<320x128xf32, #tpu.memory_space<hbm>>)
        tpu.yield
      }) : () -> ()
    } else {
    }
    %eq3A_46 = arith.constant 15 : i32
    %eq3A_47 = arith.cmpi eq, %arg1, %eq3A_46 : i32
    %convert_element_type3A_48 = arith.extui %eq3A_47 : i1 to i32
    %cond3A_49 = arith.constant 0 : i32
    %cond3A_50 = arith.cmpi ne, %convert_element_type3A_48, %cond3A_49 : i32
    scf.if %cond3A_50 {
      "tpu.region"() ({
        %run_scoped3A = tpu.sem_alloc : memref<!tpu.dma_semaphore, #tpu.memory_space<semaphore_mem>>
        %dma_start3A_51 = arith.constant 4800 : i32
        %dma_start3A_52 = arith.constant 0 : i32
        %dma_start3A_53 = tpu.memref_slice %arg5[%arg0, %dma_start3A_51, %dma_start3A_52] : memref<2x5008x128xf32, #tpu.memory_space<hbm>> -> memref<1x208x128xf32, #tpu.memory_space<hbm>>
        %dma_start3A_54 = tpu.memref_squeeze %dma_start3A_53 : memref<1x208x128xf32, #tpu.memory_space<hbm>> -> memref<208x128xf32, #tpu.memory_space<hbm>>
        %dma_start3A_55 = arith.constant 4800 : i32
        %dma_start3A_56 = arith.constant 0 : i32
        %dma_start3A_57 = tpu.memref_slice %arg7[%dma_start3A_55, %dma_start3A_56] : memref<5040x128xf32, #tpu.memory_space<vmem_shared>> -> memref<208x128xf32, #tpu.memory_space<vmem_shared>>
        tpu.enqueue_dma source(%dma_start3A_57 : memref<208x128xf32, #tpu.memory_space<vmem_shared>>) target(%dma_start3A_54 : memref<208x128xf32, #tpu.memory_space<hbm>>) target_semaphore(%run_scoped3A : memref<!tpu.dma_semaphore, #tpu.memory_space<semaphore_mem>>)
        %dma_wait3A = arith.constant 4800 : i32
        %dma_wait3A_58 = arith.constant 0 : i32
        %dma_wait3A_59 = tpu.memref_slice %arg5[%arg0, %dma_wait3A, %dma_wait3A_58] : memref<2x5008x128xf32, #tpu.memory_space<hbm>> -> memref<1x208x128xf32, #tpu.memory_space<hbm>>
        %dma_wait3A_60 = tpu.memref_squeeze %dma_wait3A_59 : memref<1x208x128xf32, #tpu.memory_space<hbm>> -> memref<208x128xf32, #tpu.memory_space<hbm>>
        %dma_wait3A_61 = arith.constant 4800 : i32
        %dma_wait3A_62 = arith.constant 0 : i32
        %dma_wait3A_63 = tpu.memref_slice %arg7[%dma_wait3A_61, %dma_wait3A_62] : memref<5040x128xf32, #tpu.memory_space<vmem_shared>> -> memref<208x128xf32, #tpu.memory_space<vmem_shared>>
        tpu.wait_dma2 semaphore(%run_scoped3A : memref<!tpu.dma_semaphore, #tpu.memory_space<semaphore_mem>>) src(%dma_wait3A_63 : memref<208x128xf32, #tpu.memory_space<vmem_shared>>) dst(%dma_wait3A_60 : memref<208x128xf32, #tpu.memory_space<hbm>>)
        tpu.yield
      }) : () -> ()
    } else {
    }
    return
  }
}

module attributes {stable_mosaic.version = 14 : i64} {
  func.func @body(%arg0: i32, %arg1: memref<512x128xf32, #tpu.memory_space<vmem>>, %arg2: memref<128x128xf32, #tpu.memory_space<vmem>>, %arg3: memref<1x128xf32, #tpu.memory_space<vmem>>, %arg4: memref<512x128xf32, #tpu.memory_space<vmem>>) attributes {dimension_semantics = [#tpu.dimension_semantics<arbitrary>], iteration_bounds = array<i64: 20>, scalar_prefetch = 0 : i64, scratch_operands = 0 : i64, tpu.core_type = #tpu.core_type<tc>, window_params = [{transform_indices = @transform_0, window_bounds = array<i64: 512, 128>}, {pipeline_mode = #tpu.pipeline_mode<synchronous>, transform_indices = @transform_1, window_bounds = array<i64: 128, 128>}, {pipeline_mode = #tpu.pipeline_mode<synchronous>, transform_indices = @transform_2, window_bounds = array<i64: 1, 128>}, {transform_indices = @transform_3, window_bounds = array<i64: 512, 128>}]} {
    %get3A = arith.constant 0 : index
    %get3A_0 = arith.constant 0 : index
    %get3A_1 = vector.load %arg1[%get3A, %get3A_0] : memref<512x128xf32, #tpu.memory_space<vmem>>, vector<512x128xf32>
    %get3A_2 = arith.constant 0 : index
    %get3A_3 = arith.constant 0 : index
    %get3A_4 = vector.load %arg2[%get3A_2, %get3A_3] : memref<128x128xf32, #tpu.memory_space<vmem>>, vector<128x128xf32>
    %dot_general3A = arith.constant dense<0.000000e+00> : vector<512x128xf32>
    %dot_general3A_5 = tpu.matmul %get3A_1, %get3A_4, %dot_general3A {dimension_numbers = #tpu.dot_dimension_numbers<[1], [0], [0], [1], [0, 0, 1, 1], [], []>, transpose_lhs_hint = false} : vector<512x128xf32>, vector<128x128xf32>, vector<512x128xf32> -> vector<512x128xf32>
    %get3A_6 = arith.constant 0 : index
    %get3A_7 = arith.constant 0 : index
    %get3A_8 = vector.load %arg3[%get3A_6, %get3A_7] : memref<1x128xf32, #tpu.memory_space<vmem>>, vector<1x128xf32>
    %add3A = vector.broadcast %get3A_8 : vector<1x128xf32> to vector<512x128xf32>
    %add3A_9 = arith.addf %dot_general3A_5, %add3A : vector<512x128xf32>
    %swap3A = arith.constant 0 : index
    %swap3A_10 = arith.constant 0 : index
    %swap3A_11 = vector.load %arg4[%swap3A, %swap3A_10] : memref<512x128xf32, #tpu.memory_space<vmem>>, vector<512x128xf32>
    tpu.vector_store %arg4[%swap3A, %swap3A_10], %add3A_9 {strides = array<i32>} : memref<512x128xf32, #tpu.memory_space<vmem>>, vector<512x128xf32>,
    return
  }
  func.func @transform_0(%arg0: i32) -> (i32, i32) {
    %c0_i32 = arith.constant 0 : i32
    %c0_i32_0 = arith.constant 0 : i32
    return %arg0, %c0_i32 : i32, i32
  }
  func.func @transform_1(%arg0: i32) -> (i32, i32) {
    %c0_i32 = arith.constant 0 : i32
    %c0_i32_0 = arith.constant 0 : i32
    %c0_i32_1 = arith.constant 0 : i32
    return %c0_i32, %c0_i32_0 : i32, i32
  }
  func.func @transform_2(%arg0: i32) -> (i32, i32) {
    %c0_i32 = arith.constant 0 : i32
    %c0_i32_0 = arith.constant 0 : i32
    %c0_i32_1 = arith.constant 0 : i32
    return %c0_i32, %c0_i32_0 : i32, i32
  }
  func.func @transform_3(%arg0: i32) -> (i32, i32) {
    %c0_i32 = arith.constant 0 : i32
    %c0_i32_0 = arith.constant 0 : i32
    return %arg0, %c0_i32 : i32, i32
  }
}

module attributes {stable_mosaic.version = 14 : i64} {
  func.func @body(%arg0: i32, %arg1: memref<512x128xf32, #tpu.memory_space<vmem>>, %arg2: memref<512x128xf32, #tpu.memory_space<vmem>>, %arg3: memref<128x128xf32, #tpu.memory_space<vmem>>, %arg4: memref<512x128xf32, #tpu.memory_space<vmem>>) attributes {dimension_semantics = [#tpu.dimension_semantics<arbitrary>], iteration_bounds = array<i64: 20>, scalar_prefetch = 0 : i64, scratch_operands = 0 : i64, tpu.core_type = #tpu.core_type<tc>, window_params = [{transform_indices = @transform_0, window_bounds = array<i64: 512, 128>}, {transform_indices = @transform_1, window_bounds = array<i64: 512, 128>}, {pipeline_mode = #tpu.pipeline_mode<synchronous>, transform_indices = @transform_2, window_bounds = array<i64: 128, 128>}, {transform_indices = @transform_3, window_bounds = array<i64: 512, 128>}]} {
    %get3A = arith.constant 0 : index
    %get3A_0 = arith.constant 0 : index
    %get3A_1 = vector.load %arg1[%get3A, %get3A_0] : memref<512x128xf32, #tpu.memory_space<vmem>>, vector<512x128xf32>
    %get3A_2 = arith.constant 0 : index
    %get3A_3 = arith.constant 0 : index
    %get3A_4 = vector.load %arg3[%get3A_2, %get3A_3] : memref<128x128xf32, #tpu.memory_space<vmem>>, vector<128x128xf32>
    %dot_general3A = arith.constant dense<0.000000e+00> : vector<512x128xf32>
    %dot_general3A_5 = tpu.matmul %get3A_1, %get3A_4, %dot_general3A {dimension_numbers = #tpu.dot_dimension_numbers<[1], [0], [0], [1], [0, 0, 1, 1], [], []>, transpose_lhs_hint = false} : vector<512x128xf32>, vector<128x128xf32>, vector<512x128xf32> -> vector<512x128xf32>
    %get3A_6 = arith.constant 0 : index
    %get3A_7 = arith.constant 0 : index
    %get3A_8 = vector.load %arg2[%get3A_6, %get3A_7] : memref<512x128xf32, #tpu.memory_space<vmem>>, vector<512x128xf32>
    %add3A = arith.addf %dot_general3A_5, %get3A_8 : vector<512x128xf32>
    %swap3A = arith.constant 0 : index
    %swap3A_9 = arith.constant 0 : index
    %swap3A_10 = vector.load %arg4[%swap3A, %swap3A_9] : memref<512x128xf32, #tpu.memory_space<vmem>>, vector<512x128xf32>
    tpu.vector_store %arg4[%swap3A, %swap3A_9], %add3A {strides = array<i32>} : memref<512x128xf32, #tpu.memory_space<vmem>>, vector<512x128xf32>,
    return
  }
  func.func @transform_0(%arg0: i32) -> (i32, i32) {
    %c0_i32 = arith.constant 0 : i32
    %c0_i32_0 = arith.constant 0 : i32
    return %arg0, %c0_i32 : i32, i32
  }
  func.func @transform_1(%arg0: i32) -> (i32, i32) {
    %c0_i32 = arith.constant 0 : i32
    %c0_i32_0 = arith.constant 0 : i32
    return %arg0, %c0_i32 : i32, i32
  }
  func.func @transform_2(%arg0: i32) -> (i32, i32) {
    %c0_i32 = arith.constant 0 : i32
    %c0_i32_0 = arith.constant 0 : i32
    %c0_i32_1 = arith.constant 0 : i32
    return %c0_i32, %c0_i32_0 : i32, i32
  }
  func.func @transform_3(%arg0: i32) -> (i32, i32) {
    %c0_i32 = arith.constant 0 : i32
    %c0_i32_0 = arith.constant 0 : i32
    return %arg0, %c0_i32 : i32, i32
  }
}

</mosaic_0001>

<sc_bundles>
// kernel: kernel.5.cloned.1.call-start
scs
__scs_entry_jumppad:
0x0: {  	(pc) =	sbr.rel $0x88, $3  }
0x1: {  	(tag) =	ssettag $0x0;
	lr =	simm.s32 $0x1  }
0x2: {  	[smem:$0x3F9A] =	sst lr;
	_ =	strace $0xD0000000  }
0x3: {  	_ = 	snop  }
0x4: {  	_ = 	snop  }
0x5: {  	_ = 	snop  }
0x6: {  	_ = 	snop  }
0x7: {  	_ = 	snop  }
__scs_overlays_trampoline_lowered:
0x8: {  	[smem:$0x3FA9] =	sst s0  }
0x9: {  	[smem:$0x3FAA] =	sst s1  }
0xa: {  	[smem:$0x3FAB] =	sst s2  }
0xb: {  	[smem:$0x3FAC] =	sst s3  }
0xc: {  	[smem:$0x3FAD] =	sst s4  }
0xd: {  	[smem:$0x3FAE] =	sst s5  }
0xe: {  	[smem:$0x3FAF] =	sst s6  }
0xf: {  	[smem:$0x3FB0] =	sst s7  }
0x10: {  	[smem:$0x3FB1] =	sst s8  }
0x11: {  	[smem:$0x3FB2] =	sst s9;
	s0 =	simm.s32 @!p0 $0x0  }
0x12: {  	s1 =	sld [smem:$0x3F98];
	s0 =	simm.s32 @p0 $0x1  }
0x13: {  	[smem:$0x3FB3] =	sst s0;
	s0 =	simm.s32 @!p1 $0x0  }
0x14: {  	s2 =	sld [smem:$0x3F97];
	s0 =	simm.s32 @p1 $0x1  }
0x15: {  	[smem:$0x3FB4] =	sst s0;
	s0 =	simm.s32 @!p2 $0x0  }
0x16: {  	s3 =	sld [smem:$0x3FDB];
	s0 =	simm.s32 @p2 $0x1  }
0x17: {  	s4 =	simm.s32 $0x1BF5;
	[smem:$0x3FB6] =	sst s0  }
0x18: {  	s0 =	sld [smem:$0x3F99];
	_ =	swait.ge [sflag:s4], $0x0  }
0x19: {  	s7 =	sld [smem:$0x3F9A]  }
0x1a: {  	s8 =	sadd.s32 $0xFFFFE003, lr  }
0x1b: {  	s9 =	sadd.s32 $0xFFFFFEF7, lr;
	s5 =	simm.s32 $0xFFFFFFFF;
	p2 =	slt.u32 s8, $0xFFFFF086  }
0x1c: {  	p1 =	slt.u32 s9, $0xF7A;
	s5 =	simm.s32 @!p2 $0x0  }
0x1d: {  	s5 =	simm.s32 @p1 $0x1;
	p0 =	seq.s32 s7, s2  }
0x1e: {  	s7 =	smul.u32 @!p0 $0xF7A, s2;
	p2 =	seq.s32 @!p0 s5, $0x0  }
0x1f: {  	s9 =	smul.u32 $0xF7A, s1;
	s8 =	simm.s32 @!p0 $0x1BF5;
	p2 =	por !p2, p0  }
0x20: {  	[sflag:s8] =	ssyncset.s32 @!p0 $0xFFFFF086;
	s6 =	sadd.s32 @!p0 s3, s7;
	s7 =	simm.s32 @!p0 $0x108  }
0x21: {  	s3 =	sadd.s32 s3, s9;
	s6 =	sadd.s32 @!p0 $0x88, s6;
	s7 =	simm.s32 @p2 $0x1082  }
0x22: {  	[simem:s7], [sflag:s8] =	dma.local @!p0 [hbm:s6], $0xF7A  }
0x23: {  	s9 =	sor.u32 $0xD0000000, s2;
	s6 =	simm.s32 $0x108;
	_ =	swait.ge @!p0 [sflag:s8], $0x0  }
0x24: {  	s3 =	sadd.s32 $0x88, s3;
	s6 =	simm.s32 @!p1 $0x1082;
	[sflag:s4] =	ssyncset.s32 $0xFFFFF086  }
0x25: {  	[simem:s6], [sflag:s4] =	dma.local [hbm:s3], $0xF7A  }
0x26: {  	[smem:$0x3F9A] =	sst s1;
	(tag) =	ssettag s2;
	_ =	strace s9  }
0x27: {  	s1 =	sld [smem:$0x3FAA]  }
0x28: {  	s2 =	sld [smem:$0x3FAB]  }
0x29: {  	s4 =	sld [smem:$0x3FAD]  }
0x2a: {  	p0 =	seq.s32 s5, $0x0;
	s5 =	sld [smem:$0x3FAE]  }
0x2b: {  	s6 =	sld [smem:$0x3FAF]  }
0x2c: {  	s7 =	sld [smem:$0x3FB0]  }
0x2d: {  	s3 =	simm.s32 $0x108;
	s8 =	sld [smem:$0x3FB1]  }
0x2e: {  	s3 =	simm.s32 @!p0 $0x1082;
	s9 =	sld [smem:$0x3FB2]  }
0x2f: {  	lr =	sadd.s32 s0, s3;
	s0 =	sld [smem:$0x3FA9]  }
0x30: {  	s3 =	sld [smem:$0x3FAC]  }
0x31: {  	[smem:$0x3FB5] =	sst s10  }
0x32: {  	s10 =	sld [smem:$0x3FB3];
	_ =	sdelay $0x3  }
0x33: {  	p0 =	seq.s32 s10, $0x1;
	s10 =	sld [smem:$0x3FB5];
	_ =	sdelay $0x3  }
0x34: {  	[smem:$0x3FB5] =	sst s10  }
0x35: {  	s10 =	sld [smem:$0x3FB4];
	_ =	sdelay $0x3  }
0x36: {  	p1 =	seq.s32 s10, $0x1;
	s10 =	sld [smem:$0x3FB5];
	_ =	sdelay $0x3  }
0x37: {  	[smem:$0x3FB5] =	sst s10  }
0x38: {  	s10 =	sld [smem:$0x3FB6]  }
0x39: {  	_ = 	snop;
	(pc) =	sbr.ind lr, $3  }
0x3a: {  	_ = 	snop  }
0x3b: {  	_ = 	snop  }
0x3c: {  	p2 =	seq.s32 s10, $0x1;
	s10 =	sld [smem:$0x3FB5]  }
0x3d: {  	_ =	shalt  }
0x3e: {  	_ =	shalt  }
0x3f: {  	_ =	shalt  }
0x40: {  	_ =	shalt  }
0x41: {  	_ =	shalt  }
0x42: {  	_ =	shalt  }
0x43: {  	_ =	shalt  }
0x44: {  	_ =	shalt  }
0x45: {  	_ =	shalt  }
0x46: {  	_ =	shalt  }
0x47: {  	_ =	shalt  }
0x48: {  	_ =	shalt  }
0x49: {  	_ =	shalt  }
0x4a: {  	_ =	shalt  }
0x4b: {  	_ =	shalt  }
0x4c: {  	_ =	shalt  }
0x4d: {  	_ =	shalt  }
0x4e: {  	_ =	shalt  }
0x4f: {  	_ =	shalt  }
0x50: {  	_ =	shalt  }
0x51: {  	_ =	shalt  }
0x52: {  	_ =	shalt  }
0x53: {  	_ =	shalt  }
0x54: {  	_ =	shalt  }
0x55: {  	_ =	shalt  }
0x56: {  	_ =	shalt  }
0x57: {  	_ =	shalt  }
0x58: {  	_ =	shalt  }
0x59: {  	_ =	shalt  }
0x5a: {  	_ =	shalt  }
0x5b: {  	_ =	shalt  }
0x5c: {  	_ =	shalt  }
0x5d: {  	_ =	shalt  }
0x5e: {  	_ =	shalt  }
0x5f: {  	_ =	shalt  }
0x60: {  	_ =	shalt  }
0x61: {  	_ =	shalt  }
0x62: {  	_ =	shalt  }
0x63: {  	_ =	shalt  }
0x64: {  	_ =	shalt  }
0x65: {  	_ =	shalt  }
0x66: {  	_ =	shalt  }
0x67: {  	_ =	shalt  }
0x68: {  	_ =	shalt  }
0x69: {  	_ =	shalt  }
0x6a: {  	_ =	shalt  }
0x6b: {  	_ =	shalt  }
0x6c: {  	_ =	shalt  }
0x6d: {  	_ =	shalt  }
0x6e: {  	_ =	shalt  }
0x6f: {  	_ =	shalt  }
0x70: {  	_ =	shalt  }
0x71: {  	_ =	shalt  }
0x72: {  	_ =	shalt  }
0x73: {  	_ =	shalt  }
0x74: {  	_ =	shalt  }
0x75: {  	_ =	shalt  }
0x76: {  	_ =	shalt  }
0x77: {  	_ =	shalt  }
0x78: {  	_ =	shalt  }
0x79: {  	_ =	shalt  }
0x7a: {  	_ =	shalt  }
0x7b: {  	_ =	shalt  }
0x7c: {  	_ =	shalt  }
0x7d: {  	_ =	shalt  }
0x7e: {  	_ =	shalt  }
0x7f: {  	_ =	shalt  }
0x80: {  	_ =	shalt  }
0x81: {  	_ =	shalt  }
0x82: {  	_ =	shalt  }
0x83: {  	_ =	shalt  }
0x84: {  	_ =	shalt  }
0x85: {  	_ =	shalt  }
0x86: {  	_ =	shalt  }
0x87: {  	_ =	shalt  }
.Lfunc_end0:
.L_simem_size_0:
called_computation_lowered:
.L_overlay_start_0:
0x88: {  	s2 =	sld [smem:$0x3FD9]  }
0x89: {  	s3 =	sld [smem:$0x3FFE];
	_ =	sdelay $0x1  }
0x8a: {  	s1 =	srdreg.scid  }
0x8b: {  	s0 =	sand.u32 $0x1, s1  }
0x8c: {  	s17 =	sshll.u32 s0, $0xA;
	s2 =	sadd.s32 s3, s2  }
0x8d: {  	s2 =	sadd.s32 s2, s17  }
0x8e: {  	[smem:$0x3FC1] =	sst s2  }
0x8f: {  	_ = 	snop  }
0x90: {  	s2 =	sld [smem:$0x3FC9];
	(tm) =	ssettm $0x1  }
0x91: {  	s18 =	sld [smem:$0x3FFB];
	_ =	sdelay $0x3  }
0x92: {  	_ =	strace s18  }
0x93: {  	s3 =	sld [smem:$0x3FFC];
	_ =	sdelay $0x3  }
0x94: {  	_ =	strace s3  }
0x95: {  	s3 =	sld [smem:$0x3FFD];
	_ =	sdelay $0x3  }
0x96: {  	_ =	strace s3  }
0x97: {  	_ =	strace $0x8FFFFFFF  }
0x98: {  	s19 =	sld [smem:$0x3FDB];
	_ =	sdelay $0x1  }
0x99: {  	s4 =	simm.s32 $_scs_section_size  }
0x9a: {  	s5 =	simm.s32 $_size__tile_overlayer_lowered;
	s6 =	simm.s32 $_tile_overlayer_lowered  }
0x9b: {  	s22 =	simm.s32 $0x1BFF;
	s21 =	sshll.u32 s6, $0x1;
	s3 =	sadd.s32 s4, s19  }
0x9c: {  	s7 =	simm.s32 $0x0;
	s20 =	sshll.u32 s5, $0x1;
	s5 =	sadd.s32 s21, s3  }
0x9d: {  	[timem:s7], [sflag:s22] =	dma.local [hbm:s5], s20  }
0x9e: {  	_ =	swait.ge [sflag:s22], s20  }
0x9f: {  	s4 =	ssub.s32 $0x0, s20;
	[sflag:s22] =	ssyncset.done $0x0  }
0xa0: {  	[sflag:s22] =	ssyncadd.s32 s4;
	_ =	sdelay $0x1  }
0xa1: {  	s23 =	simm.s32 $0x1B8B  }
0xa2: {  	_ =	swait.ge [sflag:s23], $0x1  }
0xa3: {  	[sflag:s23] =	ssyncset.done $0x0  }
0xa4: {  	s25 =	simm.s32 $0x1B8E;
	s24 =	sld [smem:$0x3FFE];
	[sflag:s23] =	ssyncadd.s32 $0xFFFFFFFF  }
0xa5: {  	s26 =	simm.s32 $execute0_lowered;
	[smem:$0x3FD2] =	sst s25  }
0xa6: {  	s5 =	sshll.u32 s26, $0x1;
	_ =	strace $0x80000046;
	[dreg:$0x1] =	wrdreg $0xFFFFFFFF  }
0xa7: {  	s28 =	simm.s32 $_size_execute0_lowered;
	s3 =	sadd.s32 s3, s5;
	[dreg:$0x0] =	wrdreg $0x0  }
0xa8: {  	s5 =	sshll.u32 s28, $0x1;
	[dreg:$0x2] =	wrdreg s3  }
0xa9: {  	[dreg:$0x3] =	wrdreg s5  }
0xaa: {  	[dreg:$0x4] =	wrdreg $0xC0  }
0xab: {  	_ =	task [dreg:s7], $0x5FFFF  }
0xac: {  	[dreg:$0x1] =	wrdreg $0xFFFFFFFF  }
0xad: {  	[dreg:$0x0] =	wrdreg $0x60  }
0xae: {  	[dreg:$0x2] =	wrdreg s2  }
0xaf: {  	[dreg:$0x3] =	wrdreg s24  }
0xb0: {  	[dreg:$0x4] =	wrdreg $0x0  }
0xb1: {  	[dreg:$0x5] =	wrdreg $0x138800  }
0xb2: {  	[dreg:$0x6] =	wrdreg $0x9  }
0xb3: {  	_ =	task.clear_ibuf [dreg:s7], $0x7FFFF;
	_ =	strace $0x90000046  }
0xb4: {  	s29 =	simm.s32 $0x9;
	_ =	strace $0x80000048  }
0xb5: {  	_ =	swait.ge [sflag:s29], $0x1  }
0xb6: {  	[sflag:s29] =	ssyncadd.s32 $0xFFFFFFFF  }
0xb7: {  	_ =	strace $0x90000048  }
0xb8: {  	_ =	sfence  }
0xb9: {  	s30 =	sld [smem:$0x0];
	_ =	sdelay $0x2  }
0xba: {  	s31 =	sshll.u32 s1, $0xD;
	s1 =	sshrl.u32 s1, $0x2  }
0xbb: {  	s3 =	sand.u32 $0x4000, s31;
	s1 =	sadd.s32 s1, s30  }
0xbc: {  	s0 =	sor.u32 s3, s0;
	s1 =	sshll.u32 s1, $0x11  }
0xbd: {  	s0 =	sor.u32 s1, s0  }
0xbe: {  	s0 =	sadd.s32 $0x8F2B, s0  }
0xbf: {  	[sflag:s0] =	ssyncadd.remote.s32 $0x1  }
0xc0: {  	_ =	sfence.sel $0xFFFF  }
0xc1: {  	[dreg:$0x0] =	wrdreg $0xFFFFFFFF;
	(pc) =	sbr.abs _section_cstart, $3  }
0xc2: {  	[dreg:$0x1] =	wrdreg $0xFFFFFFFF  }
0xc3: {  	_ =	task.clear_ibuf [dreg:s7], $0x2FFFF;
	_ =	strace $0x9FFFFFFF  }
0xc4: {  	(tm) =	ssettm $0x7FFFFFFF  }
0xc5: {  	_ =	shalt  }
tec
execute0_lowered:
.L_overlay_start_1:
0x0: {  	(tag) =	ssettag $0x1  }
0x1: {  	s0 =	rddreg [dreg:$0x0]  }
0x2: {  	s1 =	rddreg [dreg:$0x1]  }
0x3: {  	s2 =	rddreg [dreg:$0x2]  }
0x4: {  	s3 =	rddreg [dreg:$0x3];
	s4 =	simm.s32 $0x0;
	s11 =	stileid.u32  }
0x5: {  	s5 =	srdreg.scid;
	s29 =	simm.s32 $0x1DE00;
	s6 =	smul.u32 $0x2780, s11  }
0x6: {  	s30 =	simm.s32 $0x6;
	s31 =	simm.s32 $0x1D600;
	s8 =	smul.u32 $0x4E000, s11  }
0x7: {  	s21 =	simm.s32 $0x1D880;
	s22 =	simm.s32 $0x1DC80;
	s10 =	smul.u32 $0x28000, s11  }
0x8: {  	s28 =	simm.s32 $0x1DD80;
	[smem:$0x7FF] =	sst s4;
	s24 =	smul.u32 $0x2700, s11  }
0x9: {  	s5 =	sand.u32 $0x1, s5;
	p0 =	seq.s32 s11, $0xF;
	s26 =	smul.u32 $0xA000, s11  }
0xa: {  	_ =	strace $0x80000047;
	s7 =	ssub.s32 $0x2, s5;
	s25 =	smul.u32 $0x9C800, s5  }
0xb: {  	s6 =	sadd.s32 s6, s1;
	s9 =	sshrl.u32 s7, $0x1;
	s1 =	sadd.s32 $0x50000, s1  }
0xc: {  	s8 =	sshrl.u32 s8, $0x2;
	s10 =	sshrl.u32 s10, $0x2;
	s7 =	ssub.s32 s7, s9  }
0xd: {  	s8 =	sadd.s32 s8, s2;
	s9 =	sadd.s32 s0, s24;
	s12 =	sadd.s32 s10, s3  }
0xe: {  	s0 =	sadd.s32 $0x24900, s0;
	s10 =	sadd.s32 $0x93800, s3;
	[dreg:$0x5] =	wrdreg s9  }
0xf: {  	s24 =	sadd.s32 $0x1000, s6;
	s23 =	sadd.s32 $0x1080, s6;
	[dreg:$0x7] =	wrdreg s0  }
0x10: {  	s13 =	sadd.s32 $0x1000, s12;
	s14 =	sadd.s32 $0x2000, s12;
	s15 =	sadd.s32 $0x3000, s12  }
0x11: {  	s11 =	sadd.s32 $0x4000, s12;
	s16 =	sadd.s32 $0x5000, s12;
	s17 =	sadd.s32 $0x6000, s12  }
0x12: {  	s18 =	sadd.s32 $0x7000, s12;
	s19 =	sadd.s32 $0x8000, s12;
	s9 =	sadd.s32 s26, s25  }
0x13: {  	s20 =	sadd.s32 $0x9000, s12;
	s0 =	sshrl.u32 s25, $0x3;
	[dreg:$0x6] =	wrdreg s12  }
0x14: {  	s12 =	smov.u32 @p0 s10;
	s10 =	smul.u32 $0x1390, s5;
	[dreg:$0x13] =	wrdreg s24  }
0x15: {  	s25 =	sadd.s32 $0x28800, s6;
	s26 =	smax.u32 s7, $0x1;
	s24 =	sadd.s32 $0x28880, s6  }
0x16: {  	s5 =	simm.s32 $0x20;
	s7 =	simm.s32 $0x1;
	[dreg:$0x12] =	wrdreg s12  }
0x17: {  	s9 =	sshrl.u32 s9, $0x3;
	s0 =	sadd.s32 s1, s0;
	[dreg:$0x14] =	wrdreg s25  }
0x18: {  	[dreg:$0x16] =	wrdreg s26;
	s12 =	simm.s32 $0x1D700;
	s25 =	simm.s32 $0x1DD00  }
0x19: {  	s26 =	simm.s32 $0x1D980;
	s9 =	sadd.s32 s1, s9;
	s1 =	sadd.s32 $0x94800, s3  }
0x1a: {  	s0 =	sadd.s32 $0x12C00, s0;
	v0 =	vmov s10;
	s10 =	simm.s32 $0x0;
	[dreg:$0x11] =	wrdreg s9  }
0x1b: {  	s9 =	sadd.s32 $0x95800, s3;
	s13 =	smov.u32 @p0 s1;
	[dreg:$0x15] =	wrdreg s0  }
0x1c: {  	s1 =	sadd.s32 $0x96800, s3;
	s0 =	sadd.s32 $0x124800, s2;
	[dreg:$0x8] =	wrdreg s13  }
0x1d: {  	s14 =	smov.u32 @p0 s9;
	s9 =	sadd.s32 $0x97800, s3;
	s15 =	smov.u32 @p0 s1  }
0x1e: {  	s1 =	sadd.s32 $0x98800, s3;
	s0 =	sshrl.u32 @p0 s0, $0x3;
	[dreg:$0x9] =	wrdreg s14  }
0x1f: {  	s13 =	simm.s32 $0x1DB00;
	[dreg:$0xa] =	wrdreg s15;
	s11 =	smov.u32 @p0 s9  }
0x20: {  	s9 =	sadd.s32 $0x99800, s3;
	s16 =	smov.u32 @p0 s1;
	s1 =	sadd.s32 $0x9A800, s3  }
0x21: {  	[dreg:$0x17] =	wrdreg s0;
	s0 =	sshrl.u32 @!p0 s8, $0x3;
	s8 =	simm.s32 $0x1EE00  }
0x22: {  	s14 =	simm.s32 $0x5;
	s15 =	simm.s32 $0x1D780;
	[dreg:$0xb] =	wrdreg s11  }
0x23: {  	[dreg:$0xc] =	wrdreg s16;
	s17 =	smov.u32 @p0 s9;
	s9 =	sadd.s32 $0x9B800, s3  }
0x24: {  	s18 =	smov.u32 @p0 s1;
	s1 =	sadd.s32 $0x9C800, s3;
	[dreg:$0x18] =	wrdreg s0  }
0x25: {  	s0 =	sadd.s32 $0x96000, s3;
	s11 =	simm.s32 $0x4;
	[dreg:$0xd] =	wrdreg s17  }
.Ltmp0:
0x26: {  	[dreg:$0xe] =	wrdreg s18;
	s19 =	smov.u32 @p0 s9;
	(pc) =	sbr.rel .LBB2_1-.Ltmp0, $4  }
0x27: {  	s16 =	simm.s32 $0x1DB80;
	s20 =	smov.u32 @p0 s1;
	[dreg:$0xf] =	wrdreg s19  }
0x28: {  	s0 =	sshrl.u32 @p0 s0, $0x3;
	s1 =	simm.s32 $0x3;
	[dreg:$0x10] =	wrdreg s20  }
0x29: {  	s9 =	simm.s32 $0x2;
	s18 =	simm.s32 $0x1D900;
	[dreg:$0x19] =	wrdreg s0  }
0x2a: {  	v1 =	vimm.f32 $0.0e+00;
	s0 =	simm.s32 $0x1DA00;
	s19 =	simm.s32 $0x1D800;
	s20 =	simm.s32 $0x1DC00  }
.LBB2_5:
0x2b: {  	[spmem:s3] =	stream.indirect.scatter.add.f32 [tilespmem:s8], [sflag:$0x5], $0x80, s28, s5, $0xb8;
	[tilespmem:$0x1FE00] =	vst v63  }
0x2c: {  	_ =	swait.ge [sflag:s11], $0x1000  }
0x2d: {  	[sflag:s11] =	ssyncset.done $0x0  }
0x2e: {  	[sflag:s11] =	ssyncadd.s32 $0xFFFFF000  }
0x2f: {  	_ =	swait.ge [sflag:s14], $0x1000  }
0x30: {  	[sflag:s14] =	ssyncset.done $0x0  }
0x31: {  	[sflag:s14] =	ssyncadd.s32 $0xFFFFF000  }
.LBB2_7:
0x32: {  	[bflag:$0x0] =	sbarrier.arrive $0xFFFF  }
0x33: {  	s17 =	rddreg [dreg:$0x15]  }
0x34: {  	s6 =	simm.s32 @p0 $0x1FC6;
	s10 =	rddreg [dreg:$0x19]  }
0x35: {  	[hbm:s17], [sflag:s6] =	dma.local @p0 [spmem:s10], $0xD00  }
0x36: {  	s6 =	simm.s32 @p0 $0x6  }
0x37: {  	_ =	swait.ge @p0 [sflag:s6], $0xD00  }
0x38: {  	[sflag:s6] =	ssyncset.done @p0 $0x0;
	s17 =	rddreg [dreg:$0x11]  }
0x39: {  	[sflag:s6] =	ssyncadd.s32 @p0 $0xFFFFF300;
	s6 =	rddreg [dreg:$0x6]  }
0x3a: {  	s10 =	rddreg [dreg:$0x1b];
	s6 =	sshrl.u32 @!p0 s6, $0x3  }
0x3b: {  	[hbm:s17], [sflag:s10] =	dma.local @!p0 [spmem:s6], $0x1400  }
0x3c: {  	s6 =	simm.s32 @!p0 $0x6  }
0x3d: {  	_ =	swait.ge @!p0 [sflag:s6], $0x1400  }
0x3e: {  	s17 =	rddreg [dreg:$0x1a]  }
0x3f: {  	s10 =	sadd.s32 $0x1, s17;
	s17 =	rddreg [dreg:$0x16]  }
0x40: {  	p1 =	sne.s32 s10, s17  }
.Ltmp1:
0x41: {  	_ = 	snop;
	(pc) =	sbr.rel @!p1 .LBB2_8-.Ltmp1, $3  }
0x42: {  	_ =	sdelay $0x1  }
0x43: {  	[sflag:s6] =	ssyncset.done @!p0 $0x0  }
0x44: {  	[sflag:s6] =	ssyncadd.s32 @!p0 $0xFFFFEC00  }
.LBB2_1:
0x45: {  	[dreg:$0x1a] =	wrdreg s10  }
0x46: {  	s17 =	rddreg [dreg:$0x7]  }
0x47: {  	s6 =	simm.s32 @p0 $0x1FC6;
	s10 =	rddreg [dreg:$0x17]  }
0x48: {  	[spmem:s10], [sflag:s6] =	dma.local @p0 [hbm:s17], $0x2800  }
0x49: {  	s6 =	simm.s32 @p0 $0x6  }
0x4a: {  	s17 =	stileid.u32;
	_ =	swait.ge @p0 [sflag:s6], $0x2800  }
0x4b: {  	s17 =	sshll.u32 @!p0 s17, $0x6;
	[sflag:s6] =	ssyncset.done @p0 $0x0;
	s10 =	rddreg [dreg:$0x18]  }
0x4c: {  	s17 =	sor.u32 @!p0 $0x1C06, s17;
	[sflag:s6] =	ssyncadd.s32 @p0 $0xFFFFD800;
	s6 =	rddreg [dreg:$0x5]  }
0x4d: {  	[dreg:$0x1b] =	wrdreg s17  }
0x4e: {  	[spmem:s10], [sflag:s17] =	dma.local @!p0 [hbm:s6], $0x2700  }
0x4f: {  	s6 =	simm.s32 @!p0 $0x6  }
0x50: {  	_ =	swait.ge @!p0 [sflag:s6], $0x2700  }
0x51: {  	[sflag:s6] =	ssyncset.done @!p0 $0x0  }
0x52: {  	s17 =	simm.s32 $0x200;
	[sflag:s6] =	ssyncadd.s32 @!p0 $0xFFFFD900;
	s6 =	simm.s32 $0x0  }
.LBB2_2:
0x53: {  	p1 =	sne.s32 s17, $0x3E00;
	[tilespmem:s6+$0x1DE70] =	vst v1  }
0x54: {  	[tilespmem:s6+$0x1DE00] =	vst v1  }
0x55: {  	[tilespmem:s6+$0x1DE10] =	vst v1  }
.Ltmp2:
0x56: {  	[tilespmem:s6+$0x1DE20] =	vst v1;
	(pc) =	sbr.rel @p1 .LBB2_2-.Ltmp2, $4  }
0x57: {  	[tilespmem:s6+$0x1DE30] =	vst v1  }
0x58: {  	[tilespmem:s6+$0x1DE40] =	vst v1  }
0x59: {  	[tilespmem:s6+$0x1DE50] =	vst v1  }
0x5a: {  	[tilespmem:s6+$0x1DE60] =	vst v1;
	s6 =	sshra.s32 s17, $0x2;
	s17 =	sadd.s32 $0x200, s17  }
0x5b: {  	[tilespmem:s6+$0x1DE70] =	vst v1  }
0x5c: {  	[tilespmem:s6+$0x1DE00] =	vst v1  }
0x5d: {  	[tilespmem:s6+$0x1DE10] =	vst v1  }
0x5e: {  	[tilespmem:s6+$0x1DE20] =	vst v1  }
0x5f: {  	[tilespmem:s6+$0x1DE30] =	vst v1  }
0x60: {  	[tilespmem:s6+$0x1DE40] =	vst v1  }
0x61: {  	[tilespmem:s6+$0x1DE50] =	vst v1  }
0x62: {  	[tilespmem:s6+$0x1DE60] =	vst v1;
	s10 =	rddreg [dreg:$0x12]  }
0x63: {  	[spmem:s10] =	stream.linear.scatter [tilespmem:s29], [sflag:$0x6], $0x1000, $0x38;
	[tilespmem:$0x1FE00] =	vst v63  }
0x64: {  	_ =	swait.ge [sflag:s30], $0x1000  }
0x65: {  	[sflag:s30] =	ssyncset.done $0x0  }
0x66: {  	s17 =	rddreg [dreg:$0x8];
	[sflag:s30] =	ssyncadd.s32 $0xFFFFF000  }
0x67: {  	[spmem:s17] =	stream.linear.scatter [tilespmem:s29], [sflag:$0x6], $0x1000, $0x38;
	[tilespmem:$0x1FE00] =	vst v63  }
0x68: {  	_ =	swait.ge [sflag:s30], $0x1000  }
0x69: {  	[sflag:s30] =	ssyncset.done $0x0  }
0x6a: {  	s10 =	rddreg [dreg:$0x9];
	[sflag:s30] =	ssyncadd.s32 $0xFFFFF000  }
0x6b: {  	[spmem:s10] =	stream.linear.scatter [tilespmem:s29], [sflag:$0x6], $0x1000, $0x38;
	[tilespmem:$0x1FE00] =	vst v63  }
0x6c: {  	_ =	swait.ge [sflag:s30], $0x1000  }
0x6d: {  	[sflag:s30] =	ssyncset.done $0x0  }
0x6e: {  	s17 =	rddreg [dreg:$0xa];
	[sflag:s30] =	ssyncadd.s32 $0xFFFFF000  }
0x6f: {  	[spmem:s17] =	stream.linear.scatter [tilespmem:s29], [sflag:$0x6], $0x1000, $0x38;
	[tilespmem:$0x1FE00] =	vst v63  }
0x70: {  	_ =	swait.ge [sflag:s30], $0x1000  }
0x71: {  	[sflag:s30] =	ssyncset.done $0x0  }
0x72: {  	s10 =	rddreg [dreg:$0xb];
	[sflag:s30] =	ssyncadd.s32 $0xFFFFF000  }
0x73: {  	[spmem:s10] =	stream.linear.scatter [tilespmem:s29], [sflag:$0x6], $0x1000, $0x38;
	[tilespmem:$0x1FE00] =	vst v63  }
0x74: {  	_ =	swait.ge [sflag:s30], $0x1000  }
0x75: {  	[sflag:s30] =	ssyncset.done $0x0  }
0x76: {  	s17 =	rddreg [dreg:$0xc];
	[sflag:s30] =	ssyncadd.s32 $0xFFFFF000  }
0x77: {  	[spmem:s17] =	stream.linear.scatter [tilespmem:s29], [sflag:$0x6], $0x1000, $0x38;
	[tilespmem:$0x1FE00] =	vst v63  }
0x78: {  	_ =	swait.ge [sflag:s30], $0x1000  }
0x79: {  	[sflag:s30] =	ssyncset.done $0x0  }
0x7a: {  	s10 =	rddreg [dreg:$0xd];
	[sflag:s30] =	ssyncadd.s32 $0xFFFFF000  }
0x7b: {  	[spmem:s10] =	stream.linear.scatter [tilespmem:s29], [sflag:$0x6], $0x1000, $0x38;
	[tilespmem:$0x1FE00] =	vst v63  }
0x7c: {  	_ =	swait.ge [sflag:s30], $0x1000  }
0x7d: {  	[sflag:s30] =	ssyncset.done $0x0  }
0x7e: {  	s17 =	rddreg [dreg:$0xe];
	[sflag:s30] =	ssyncadd.s32 $0xFFFFF000  }
0x7f: {  	[spmem:s17] =	stream.linear.scatter [tilespmem:s29], [sflag:$0x6], $0x1000, $0x38;
	[tilespmem:$0x1FE00] =	vst v63  }
0x80: {  	_ =	swait.ge [sflag:s30], $0x1000  }
0x81: {  	[sflag:s30] =	ssyncset.done $0x0  }
0x82: {  	s10 =	rddreg [dreg:$0xf];
	[sflag:s30] =	ssyncadd.s32 $0xFFFFF000  }
0x83: {  	[spmem:s10] =	stream.linear.scatter [tilespmem:s29], [sflag:$0x6], $0x1000, $0x38;
	[tilespmem:$0x1FE00] =	vst v63  }
0x84: {  	_ =	swait.ge [sflag:s30], $0x1000  }
0x85: {  	[sflag:s30] =	ssyncset.done $0x0  }
0x86: {  	s17 =	rddreg [dreg:$0x10];
	[sflag:s30] =	ssyncadd.s32 $0xFFFFF000  }
0x87: {  	[spmem:s17] =	stream.linear.scatter [tilespmem:s29], [sflag:$0x6], $0x1000, $0x38;
	[tilespmem:$0x1FE00] =	vst v63  }
0x88: {  	_ =	swait.ge [sflag:s30], $0x1000  }
0x89: {  	[sflag:s30] =	ssyncset.done $0x0  }
0x8a: {  	[sflag:s30] =	ssyncadd.s32 $0xFFFFF000  }
0x8b: {  	[bflag:$0x0] =	sbarrier.arrive $0xFFFF  }
0x8c: {  	s6 =	simm.s32 $0x0;
	s17 =	rddreg [dreg:$0x13]  }
0x8d: {  	[tilespmem:s31], [sflag:$0x3] =	stream.linear.gather [hbm4b:s17+s6], $0x400, $0x38;
	[tilespmem:$0x1FE00] =	vst v63  }
0x8e: {  	s10 =	rddreg [dreg:$0x14]  }
0x8f: {  	[tilespmem:s0], [sflag:$0x3] =	stream.linear.gather [hbm4b:s10+s6], $0x400, $0x38;
	[tilespmem:$0x1FE00] =	vst v63  }
0x90: {  	s10 =	simm.s32 $0x1D680  }
.LBB2_4:
0x91: {  	_ =	swait.ge [sflag:s1], $0x400  }
0x92: {  	[sflag:s1] =	ssyncset.done $0x0  }
0x93: {  	[sflag:s1] =	ssyncadd.s32 $0xFFFFFC00  }
0x94: {  	_ =	swait.ge [sflag:s1], $0x400  }
0x95: {  	[sflag:s1] =	ssyncset.done $0x0  }
0x96: {  	[sflag:s1] =	ssyncadd.s32 $0xFFFFFC00  }
0x97: {  	[tilespmem:s29], [sflag:$0x1] =	stream.indirect.gather [spmem:s2], $0x80, s31, s5, $0xb8;
	[tilespmem:$0x1FE00] =	vst v63  }
0x98: {  	v2 =	vld [tilespmem:$0x1DA00]  }
0x99: {  	v3 =	vld [tilespmem:$0x1DA10]  }
0x9a: {  	v4 =	vld [tilespmem:$0x1DA80]  }
0x9b: {  	v6 =	vld [tilespmem:$0x1DA90]  }
0x9c: {  	v7 =	vld [tilespmem:$0x1DB00]  }
0x9d: {  	v9 =	vld [tilespmem:$0x1DB10]  }
0x9e: {  	v10 =	vld [tilespmem:$0x1DB80]  }
0x9f: {  	v38 =	vld [tilespmem:$0x1DB90]  }
0xa0: {  	v12 =	vld [tilespmem:$0x1DC00]  }
0xa1: {  	v13 =	vld [tilespmem:$0x1DC10]  }
0xa2: {  	v42 =	vld [tilespmem:$0x1DC80];
	v5 =	vsub.s32 v2, v0  }
0xa3: {  	v14 =	vld [tilespmem:$0x1DC90];
	v2 =	vand.u32 $0x1F, v2;
	v35 =	vsub.s32 v3, v0;
	v3 =	vand.u32 $0x1F, v3  }
0xa4: {  	v46 =	vld [tilespmem:$0x1DD00];
	v8 =	vsub.s32 v4, v0;
	v4 =	vand.u32 $0x1F, v4;
	v36 =	vsub.s32 v6, v0  }
0xa5: {  	v50 =	vld [tilespmem:$0x1DD10];
	v6 =	vand.u32 $0x1F, v6;
	v37 =	vsub.s32 v7, v0;
	v7 =	vand.u32 $0x1F, v7  }
0xa6: {  	v52 =	vld [tilespmem:$0x1DD80];
	v11 =	vsub.s32 v9, v0;
	v39 =	vand.u32 $0x1F, v9;
	v40 =	vsub.s32 v10, v0  }
0xa7: {  	v56 =	vld [tilespmem:$0x1DD90];
	v10 =	vand.u32 $0x1F, v10;
	v41 =	vsub.s32 v38, v0;
	v43 =	vsub.s32 v12, v0  }
0xa8: {  	v44 =	vsub.s32 v13, v0;
	v45 =	vand.u32 $0x1F, v13;
	v48 =	vsub.s32 v42, v0  }
0xa9: {  	v49 =	vand.u32 $0x1F, v42;
	v51 =	vsub.s32 v14, v0;
	v53 =	vand.u32 $0x1F, v14  }
0xaa: {  	v54 =	vsub.s32 v46, v0;
	v55 =	vand.u32 $0x1F, v46;
	v57 =	vsub.s32 v50, v0  }
0xab: {  	v58 =	vand.u32 $0x1F, v50;
	v60 =	vsub.s32 v52, v0;
	v61 =	vand.u32 $0x1F, v52  }
0xac: {  	v62 =	vsub.s32 v56, v0;
	v63 =	vand.u32 $0x1F, v56;
	vm0 =	vlt.u32 v5, $0x1390  }
0xad: {  	v2 =	vadd.s32 $0x1390, v2;
	vm13 =	vlt.u32 v35, $0x1390;
	v3 =	vadd.s32 $0x1390, v3  }
0xae: {  	vm14 =	vlt.u32 v8, $0x1390;
	v4 =	vadd.s32 $0x1390, v4;
	v2 =	vsel vm0, v5, v2  }
0xaf: {  	vm15 =	vlt.u32 v36, $0x1390;
	v6 =	vadd.s32 $0x1390, v6;
	v3 =	vsel vm13, v35, v3;
	[tilespmem:$0x1DA00] =	vst v2  }
0xb0: {  	vm4 =	vlt.u32 v37, $0x1390;
	v7 =	vadd.s32 $0x1390, v7;
	v4 =	vsel vm14, v8, v4;
	[tilespmem:$0x1DA10] =	vst v3  }
0xb1: {  	vm5 =	vlt.u32 v11, $0x1390;
	vm6 =	vlt.u32 v40, $0x1390;
	v5 =	vsel vm15, v36, v6;
	[tilespmem:$0x1DA80] =	vst v4  }
0xb2: {  	v10 =	vadd.s32 $0x1390, v10;
	vm7 =	vlt.u32 v41, $0x1390;
	v6 =	vsel vm4, v37, v7;
	[tilespmem:$0x1DA90] =	vst v5  }
0xb3: {  	vm9 =	vlt.u32 v44, $0x1390;
	v7 =	vadd.s32 $0x1390, v39;
	v9 =	vsel vm6, v40, v10;
	[tilespmem:$0x1DB00] =	vst v6  }
0xb4: {  	v47 =	vadd.s32 $0x1390, v45;
	v8 =	vand.u32 $0x1F, v38;
	v7 =	vsel vm5, v11, v7;
	[tilespmem:$0x1DB80] =	vst v9  }
0xb5: {  	vm10 =	vlt.u32 v48, $0x1390;
	v2 =	vadd.s32 $0x1390, v8;
	v4 =	vsel vm9, v44, v47;
	[tilespmem:$0x1DB10] =	vst v7  }
0xb6: {  	v3 =	vand.u32 $0x1F, v12;
	v6 =	vadd.s32 $0x1390, v49;
	v2 =	vsel vm7, v41, v2;
	[tilespmem:$0x1DC10] =	vst v4  }
0xb7: {  	vm8 =	vlt.u32 v43, $0x1390;
	v3 =	vadd.s32 $0x1390, v3;
	v5 =	vsel vm10, v48, v6;
	[tilespmem:$0x1DB90] =	vst v2  }
0xb8: {  	vm11 =	vlt.u32 v51, $0x1390;
	v3 =	vsel vm8, v43, v3;
	v2 =	vadd.s32 $0x1390, v53;
	[tilespmem:$0x1DC80] =	vst v5  }
0xb9: {  	vm12 =	vlt.u32 v54, $0x1390;
	[tilespmem:$0x1DC00] =	vst v3;
	v2 =	vsel vm11, v51, v2;
	v3 =	vadd.s32 $0x1390, v55  }
0xba: {  	v59 =	vadd.s32 $0x1390, v58;
	vm13 =	vlt.u32 v57, $0x1390;
	v3 =	vsel vm12, v54, v3;
	[tilespmem:$0x1DC90] =	vst v2  }
0xbb: {  	vm14 =	vlt.u32 v60, $0x1390;
	v2 =	vsel vm13, v57, v59;
	[tilespmem:$0x1DD00] =	vst v3;
	v3 =	vadd.s32 $0x1390, v61  }
0xbc: {  	vm15 =	vlt.u32 v62, $0x1390;
	[tilespmem:$0x1DD10] =	vst v2;
	v2 =	vsel vm14, v60, v3;
	v3 =	vadd.s32 $0x1390, v63  }
0xbd: {  	[tilespmem:$0x1DD80] =	vst v2;
	v2 =	vsel vm15, v62, v3  }
0xbe: {  	[tilespmem:$0x1DD90] =	vst v2  }
0xbf: {  	_ =	swait.ge [sflag:s7], $0x1000  }
0xc0: {  	[sflag:s7] =	ssyncset.done $0x0  }
0xc1: {  	[sflag:s7] =	ssyncadd.s32 $0xFFFFF000  }
0xc2: {  	[spmem:s3] =	stream.indirect.scatter.add.f32 [tilespmem:s29], [sflag:$0x4], $0x80, s0, s5, $0xb8;
	[tilespmem:$0x1FE00] =	vst v63  }
0xc3: {  	_ = 	snop  }
0xc4: {  	[tilespmem:s8], [sflag:$0x2] =	stream.indirect.gather [spmem:s2], $0x80, s10, s5, $0xb8;
	[tilespmem:$0x1FE00] =	vst v63  }
0xc5: {  	_ =	swait.ge [sflag:s9], $0x1000  }
0xc6: {  	[sflag:s9] =	ssyncset.done $0x0  }
0xc7: {  	s17 =	simm.s32 $0x1DA80;
	[sflag:s9] =	ssyncadd.s32 $0xFFFFF000  }
0xc8: {  	[spmem:s3] =	stream.indirect.scatter.add.f32 [tilespmem:s8], [sflag:$0x5], $0x80, s17, s5, $0xb8;
	[tilespmem:$0x1FE00] =	vst v63  }
0xc9: {  	_ =	swait.ge [sflag:s11], $0x1000  }
0xca: {  	[sflag:s11] =	ssyncset.done $0x0  }
0xcb: {  	[sflag:s11] =	ssyncadd.s32 $0xFFFFF000  }
0xcc: {  	[tilespmem:s29], [sflag:$0x1] =	stream.indirect.gather [spmem:s2], $0x80, s12, s5, $0xb8;
	[tilespmem:$0x1FE00] =	vst v63  }
0xcd: {  	_ =	swait.ge [sflag:s7], $0x1000  }
0xce: {  	[sflag:s7] =	ssyncset.done $0x0  }
0xcf: {  	[sflag:s7] =	ssyncadd.s32 $0xFFFFF000  }
0xd0: {  	[spmem:s3] =	stream.indirect.scatter.add.f32 [tilespmem:s29], [sflag:$0x4], $0x80, s13, s5, $0xb8;
	[tilespmem:$0x1FE00] =	vst v63  }
0xd1: {  	_ =	swait.ge [sflag:s14], $0x1000  }
0xd2: {  	[sflag:s14] =	ssyncset.done $0x0  }
0xd3: {  	[sflag:s14] =	ssyncadd.s32 $0xFFFFF000  }
0xd4: {  	[tilespmem:s8], [sflag:$0x2] =	stream.indirect.gather [spmem:s2], $0x80, s15, s5, $0xb8;
	[tilespmem:$0x1FE00] =	vst v63  }
0xd5: {  	_ =	swait.ge [sflag:s9], $0x1000  }
0xd6: {  	[sflag:s9] =	ssyncset.done $0x0  }
0xd7: {  	[sflag:s9] =	ssyncadd.s32 $0xFFFFF000  }
0xd8: {  	[spmem:s3] =	stream.indirect.scatter.add.f32 [tilespmem:s8], [sflag:$0x5], $0x80, s16, s5, $0xb8;
	[tilespmem:$0x1FE00] =	vst v63  }
0xd9: {  	_ =	swait.ge [sflag:s11], $0x1000  }
0xda: {  	[sflag:s11] =	ssyncset.done $0x0  }
0xdb: {  	[sflag:s11] =	ssyncadd.s32 $0xFFFFF000  }
0xdc: {  	[tilespmem:s29], [sflag:$0x1] =	stream.indirect.gather [spmem:s2], $0x80, s19, s5, $0xb8;
	[tilespmem:$0x1FE00] =	vst v63  }
0xdd: {  	_ =	swait.ge [sflag:s7], $0x1000  }
0xde: {  	[sflag:s7] =	ssyncset.done $0x0  }
0xdf: {  	[sflag:s7] =	ssyncadd.s32 $0xFFFFF000  }
0xe0: {  	[spmem:s3] =	stream.indirect.scatter.add.f32 [tilespmem:s29], [sflag:$0x4], $0x80, s20, s5, $0xb8;
	[tilespmem:$0x1FE00] =	vst v63  }
0xe1: {  	_ =	swait.ge [sflag:s14], $0x1000  }
0xe2: {  	[sflag:s14] =	ssyncset.done $0x0  }
0xe3: {  	[sflag:s14] =	ssyncadd.s32 $0xFFFFF000  }
0xe4: {  	[tilespmem:s8], [sflag:$0x2] =	stream.indirect.gather [spmem:s2], $0x80, s21, s5, $0xb8;
	[tilespmem:$0x1FE00] =	vst v63  }
0xe5: {  	_ =	swait.ge [sflag:s9], $0x1000  }
0xe6: {  	[sflag:s9] =	ssyncset.done $0x0  }
0xe7: {  	[sflag:s9] =	ssyncadd.s32 $0xFFFFF000  }
0xe8: {  	[spmem:s3] =	stream.indirect.scatter.add.f32 [tilespmem:s8], [sflag:$0x5], $0x80, s22, s5, $0xb8;
	[tilespmem:$0x1FE00] =	vst v63  }
0xe9: {  	_ =	swait.ge [sflag:s11], $0x1000  }
0xea: {  	[sflag:s11] =	ssyncset.done $0x0  }
0xeb: {  	[sflag:s11] =	ssyncadd.s32 $0xFFFFF000  }
0xec: {  	[tilespmem:s29], [sflag:$0x1] =	stream.indirect.gather [spmem:s2], $0x80, s18, s5, $0xb8;
	[tilespmem:$0x1FE00] =	vst v63  }
0xed: {  	_ =	swait.ge [sflag:s7], $0x1000  }
0xee: {  	[sflag:s7] =	ssyncset.done $0x0  }
0xef: {  	[sflag:s7] =	ssyncadd.s32 $0xFFFFF000  }
0xf0: {  	[spmem:s3] =	stream.indirect.scatter.add.f32 [tilespmem:s29], [sflag:$0x4], $0x80, s25, s5, $0xb8;
	[tilespmem:$0x1FE00] =	vst v63  }
0xf1: {  	_ =	swait.ge [sflag:s14], $0x1000  }
0xf2: {  	p1 =	sne.s32 s6, $0x2700;
	[sflag:s14] =	ssyncset.done $0x0  }
.Ltmp3:
0xf3: {  	[sflag:s14] =	ssyncadd.s32 $0xFFFFF000;
	(pc) =	sbr.rel @!p1 .LBB2_5-.Ltmp3, $4  }
0xf4: {  	[tilespmem:s8], [sflag:$0x2] =	stream.indirect.gather [spmem:s2], $0x80, s26, s5, $0xb8;
	[tilespmem:$0x1FE00] =	vst v63  }
0xf5: {  	_ =	swait.ge [sflag:s9], $0x1000  }
0xf6: {  	[sflag:s9] =	ssyncset.done $0x0  }
0xf7: {  	[sflag:s9] =	ssyncadd.s32 $0xFFFFF000  }
0xf8: {  	s17 =	sadd.s32 s6, s23  }
0xf9: {  	[tilespmem:s31], [sflag:$0x3] =	stream.linear.gather [hbm4b:s17+s4], $0x400, $0x38;
	[tilespmem:$0x1FE00] =	vst v63  }
0xfa: {  	_ = 	snop  }
0xfb: {  	[spmem:s3] =	stream.indirect.scatter.add.f32 [tilespmem:s8], [sflag:$0x5], $0x80, s28, s5, $0xb8;
	[tilespmem:$0x1FE00] =	vst v63  }
0xfc: {  	s17 =	sadd.s32 s6, s24;
	s6 =	sadd.s32 $0x80, s6;
	_ =	swait.ge [sflag:s11], $0x1000  }
0xfd: {  	p1 =	sne.s32 s6, $0x2780;
	[sflag:s11] =	ssyncset.done $0x0  }
.Ltmp4:
0xfe: {  	[sflag:s11] =	ssyncadd.s32 $0xFFFFF000;
	(pc) =	sbr.rel @p1 .LBB2_4-.Ltmp4, $4  }
.Ltmp5:
0xff: {  	_ =	swait.ge [sflag:s14], $0x1000;
	(pc) =	sbr.rel @!p1 .LBB2_7-.Ltmp5, $4  }
0x100: {  	[sflag:s14] =	ssyncset.done $0x0  }
0x101: {  	[sflag:s14] =	ssyncadd.s32 $0xFFFFF000  }
0x102: {  	[tilespmem:s0], [sflag:$0x3] =	stream.linear.gather [hbm4b:s17+s4], $0x400, $0x38;
	[tilespmem:$0x1FE00] =	vst v63  }
0x103: {  	_ = 	snop  }
.LBB2_8:
0x104: {  	_ =	sfence.sel $0x180000  }
0x105: {  	[bflag:$0x0] =	sbarrier.arrive $0xFFFF  }
0x106: {  	_ =	strace $0x90000047  }
0x107: {  	s0 =	stileid.u32;
	[bflag:$0x2] =	sbarrier.arrive $0xFFFF  }
0x108: {  	p0 =	sne.s32 s0, $0x0;
	s0 =	rddreg [dreg:$0x4]  }
0x109: {  	s0 =	sadd.s32 @!p0 $0x100000, s0  }
0x10a: {  	[sflag:s0] =	ssyncadd.tile.s32 @!p0 $0x1;
	_ =	shalt  }
.Lfunc_end2:
_tile_overlayer_lowered:
.L_overlay_start_2:
0x10b: {  	(tag) =	ssettag $0x2  }
0x10c: {  	s0 =	rddreg [dreg:$0x0];
	s2 =	stileid.u32  }
0x10d: {  	s1 =	rddreg [dreg:$0x1];
	p0 =	sne.s32 s2, $0x0  }
0x10e: {  	s3 =	rddreg [dreg:$0x2];
	[bflag:$0x3] =	sbarrier.arrive $0xFFFF;
	s2 =	simm.s32 @!p0 $0x1C06  }
0x10f: {  	[timem:s3], [sflag:s2] =	dma.local @!p0 [hbm:s0], s1  }
0x110: {  	s0 =	simm.s32 @!p0 $0x6  }
0x111: {  	_ =	swait.ge @!p0 [sflag:s0], s1  }
0x112: {  	s1 =	ssub.s32 @!p0 $0x0, s1;
	[sflag:s0] =	ssyncset.done @!p0 $0x0  }
0x113: {  	[sflag:s0] =	ssyncadd.s32 @!p0 s1  }
0x114: {  	[bflag:$0x3] =	sbarrier.arrive $0xFFFF  }
0x115: {  	_ =	shalt  }

</sc_bundles>
